<compile_context>
chip_gen: v7x
topology: tpu7x:2x2x1
jax: 0.10.2.dev20260603
libtpu: 0.0.44.dev20260713+nightly
codegen_flags: <defaults>
</compile_context>

<pallas_src>
import functools

import jax
import jax.numpy as jnp
import numpy as np
from jax import lax
from jax.experimental import pallas as pl
from jax.experimental.pallas import tpu as pltpu

EPS = 1e-06
PRED_LENGTH = 12
K = 20
T = 12
L = 2 * T
B = 10000
BP = 10240
BBA = 1024
BBC = 200

def _stats_body(mu_ref, l1_ref, y_ref, pi_ref,
                i1_ref, if1_ref, i2_ref, if2_ref, sums_ref):
    j = pl.program_id(0)
    bb = y_ref.shape[1]
    y = y_ref[...]
    kio = lax.broadcasted_iota(jnp.int32, (K, bb), 0)
    bglob = j * bb + lax.broadcasted_iota(jnp.int32, (1, bb), 1)
    even = (lax.broadcasted_iota(jnp.int32, (1, L, bb), 1) % 2 == 0
            ).astype(jnp.float32)

    def head(tr):
        diff = tr - y[None]
        e = diff * diff
        s = e + pltpu.roll(e, shift=L - 1, axis=1)
        d = jnp.sqrt(s) * even
        l2 = jnp.sum(d, axis=1)
        f = jnp.sqrt(s[:, L - 2, :])
        mn = jnp.min(l2, axis=0, keepdims=True)
        am = jnp.min(jnp.where(l2 == mn, kio, K), axis=0, keepdims=True)
        mnf = jnp.min(f, axis=0, keepdims=True)
        amf = jnp.min(jnp.where(f == mnf, kio, K), axis=0, keepdims=True)
        return l2, am, amf

    l2_1, am1, amf1 = head(mu_ref[...])
    _, am2, amf2 = head(l1_ref[...])

    z = -l2_1 / PRED_LENGTH
    z = z - jnp.max(z, axis=0, keepdims=True)
    ez = jnp.exp(z)
    st = ez / jnp.sum(ez, axis=0, keepdims=True)
    pi = pi_ref[...]
    pim = pi - jnp.max(pi, axis=0, keepdims=True)
    lsm = pim - jnp.log(jnp.sum(jnp.exp(pim), axis=0, keepdims=True))
    cls_b = jnp.sum(st * lsm, axis=0, keepdims=True)
    tr_sum = jnp.sum(jnp.where(bglob < B, cls_b, 0.0))

    i1_ref[...] = am1 * B + bglob
    if1_ref[...] = amf1 * B + bglob
    i2_ref[...] = am2 * B + bglob
    if2_ref[...] = amf2 * B + bglob

    lane1 = lax.broadcasted_iota(jnp.int32, (1, 128), 1)

    @pl.when(j == 0)
    def _():
        sums_ref[...] = jnp.zeros_like(sums_ref)

    sums_ref[...] += jnp.where(lane1 == 0, tr_sum, 0.0)


def _nll_body(y_ref, m1_ref, s1_ref, m2_ref, s2_ref, sums_ref):
    j = pl.program_id(0)
    y = y_ref[...]

    def reg(m, s):
        sc = jnp.maximum(s, EPS)
        return jnp.sum(jnp.log(2.0 * sc) + jnp.abs(y - m) / sc)

    r1 = reg(m1_ref[...], s1_ref[...])
    r2 = reg(m2_ref[...], s2_ref[...])
    lane1 = lax.broadcasted_iota(jnp.int32, (1, 128), 1)

    @pl.when(j == 0)
    def _():
        sums_ref[...] = jnp.zeros_like(sums_ref)

    sums_ref[...] += (jnp.where(lane1 == 0, r1, 0.0)
                      + jnp.where(lane1 == 1, r2, 0.0))


def _gather_rows(tables, idxs):
    outs = []
    for tab, idx in zip(tables, idxs):
        outs.append(jnp.take(tab, idx, axis=0))
    return outs


@jax.jit
def kernel(out_mu, out_sigma, out_pi, loc1, scale1, y, pre_obs):
    mu2d = out_mu.reshape(K * B, L)
    sg2d = out_sigma.reshape(K * B, L)
    l12d = loc1.reshape(K * B, L)
    sc2d = scale1.reshape(K * B, L)
    y2 = y.reshape(B, L)

    pad = [(0, 0), (0, 0), (0, BP - B)]
    muT = jnp.pad(jnp.transpose(out_mu.reshape(K, B, L), (0, 2, 1)), pad)
    l1T = jnp.pad(jnp.transpose(loc1.reshape(K, B, L), (0, 2, 1)), pad)
    yT = jnp.pad(y2.T, [(0, 0), (0, BP - B)])
    piT = jnp.pad(out_pi.T, [(0, 0), (0, BP - B)])

    grid_a = (BP // BBA,)
    big = pl.BlockSpec((K, L, BBA), lambda j: (0, 0, j))
    yrow = pl.BlockSpec((L, BBA), lambda j: (0, j))
    pirow = pl.BlockSpec((K, BBA), lambda j: (0, j))
    irow = pl.BlockSpec((1, BBA), lambda j: (0, j))
    acc = pl.BlockSpec((1, 128), lambda j: (0, 0))

    i1, if1, i2, if2, sums_a = pl.pallas_call(
        _stats_body,
        grid=grid_a,
        in_specs=[big, big, yrow, pirow],
        out_specs=[irow, irow, irow, irow, acc],
        out_shape=[
            jax.ShapeDtypeStruct((1, BP), jnp.int32),
            jax.ShapeDtypeStruct((1, BP), jnp.int32),
            jax.ShapeDtypeStruct((1, BP), jnp.int32),
            jax.ShapeDtypeStruct((1, BP), jnp.int32),
            jax.ShapeDtypeStruct((1, 128), jnp.float32),
        ],
    )(muT, l1T, yT, piT)

    i1v = i1.reshape(BP)[:B]
    if1v = if1.reshape(BP)[:B]
    i2v = i2.reshape(BP)[:B]
    if2v = if2.reshape(BP)[:B]
    g1m, g1mf, g1s, g2m, g2mf, g2s = _gather_rows(
        (mu2d, mu2d, sg2d, l12d, l12d, sc2d),
        (i1v, if1v, i1v, i2v, if2v, i2v))

    grid_c = (B // BBC,)
    row = pl.BlockSpec((BBC, L), lambda j: (j, 0))
    sums_c = pl.pallas_call(
        _nll_body,
        grid=grid_c,
        in_specs=[row, row, row, row, row],
        out_specs=pl.BlockSpec((1, 128), lambda j: (0, 0)),
        out_shape=jax.ShapeDtypeStruct((1, 128), jnp.float32),
    )(y2, g1m, g1s, g2m, g2s)

    loss0 = sums_c[0, 0] / (B * L) - sums_a[0, 0] / B
    loss1 = sums_c[0, 1] / (B * L)

    def tra(g):
        return jnp.concatenate(
            [pre_obs, jnp.transpose(g.reshape(B, T, 2), (1, 0, 2))], axis=0)

    return (loss0, loss1, tra(g1m), tra(g1mf), tra(g2m), tra(g2mf))

# --- scband reference (transcript-rebuilt; emitter-appended) ---
"""Pipeline reference for scband-ephgt-56942676410508 (READ-ONLY COPY).

The authoritative reference and input builder live on the scoring server;
editing this copy changes nothing except your own understanding.
"""

import jax, jax.numpy as jnp
import numpy as np

EPS = 1e-06
PRED_LENGTH = 12


def _laplace_nll(pred, target):
    loc, scale = jnp.split(pred, 2, axis=-1)
    # torch: scale.clone(); with no_grad(): scale.clamp_(min=eps)
    # clamp applied to values only, not recorded by autograd -> straight-through
    scale_clamped = jnp.maximum(scale, EPS)
    scale = scale + jax.lax.stop_gradient(scale_clamped - scale)
    nll = jnp.log(2.0 * scale) + jnp.abs(target - loc) / scale
    return jnp.mean(nll)


def _soft_target_ce(pred, target):
    ce = jnp.sum(-target * jax.nn.log_softmax(pred, axis=-1), axis=-1)
    return jnp.mean(ce)


def _mdn_loss(y, out_mu, out_sigma, out_pi, pre_obs, ifpi):
    B = y.shape[0]
    y_hat = jnp.concatenate([out_mu, out_sigma], axis=-1)  # [K,B,T,4]
    l2_norm = jnp.sum(jnp.linalg.norm(out_mu - y[None], axis=-1), axis=-1)  # [K,B]
    best_mode = jnp.argmin(l2_norm, axis=0)  # [B]
    ar = jnp.arange(B)
    y_hat_best = y_hat[best_mode, ar]  # [B,T,4]
    reg_loss = _laplace_nll(y_hat_best, y)
    if ifpi:
        soft_target = jax.lax.stop_gradient(jax.nn.softmax(-l2_norm / PRED_LENGTH, axis=0).T)  # [B,K]
        cls_loss = _soft_target_ce(out_pi, soft_target)
        loss = reg_loss + cls_loss
    else:
        loss = reg_loss
    sample_k = jnp.transpose(out_mu[best_mode, ar], (1, 0, 2))  # [T,B,2]
    tra_ade = jnp.concatenate([pre_obs, sample_k], axis=0)
    l2_fde = jnp.linalg.norm(out_mu[:, :, -1, :] - y[:, -1, :][None], axis=-1)  # [K,B]
    best_fde = jnp.argmin(l2_fde, axis=0)
    sample_k2 = jnp.transpose(out_mu[best_fde, ar], (1, 0, 2))
    tra_fde = jnp.concatenate([pre_obs, sample_k2], axis=0)
    return loss, tra_ade, tra_fde


def setup_inputs(seed: int = 0) -> dict:
    key = jax.random.key(seed)
    k1, k2, k3, k4, k5, k6, k7 = jax.random.split(key, 7)
    K, B, T, OBS = 20, 10000, 12, 8
    out_mu = jax.random.normal(k1, (K, B, T, 2), dtype=jnp.float32)
    out_sigma = jax.random.uniform(k2, (K, B, T, 2), dtype=jnp.float32)
    out_pi = jax.random.normal(k3, (B, K), dtype=jnp.float32)
    loc1 = jax.random.normal(k4, (K, B, T, 2), dtype=jnp.float32)
    scale1 = jax.random.uniform(k5, (K, B, T, 2), dtype=jnp.float32)
    y = jax.random.normal(k6, (B, T, 2), dtype=jnp.float32)
    pre_obs = jax.random.normal(k7, (OBS - 1, B, 2), dtype=jnp.float32)
    return {"out_mu": out_mu, "out_sigma": out_sigma, "out_pi": out_pi,
            "loc1": loc1, "scale1": scale1, "y": y, "pre_obs": pre_obs}


def reference(out_mu, out_sigma, out_pi, loc1, scale1, y, pre_obs):
    # EPHGT loss head: mdn_loss on decoder output (loc, scale, pi) and on the
    # auxiliary (loc1, scale1) head, mirroring EPHGT.forward's return.
    loss0, tra1, tra2 = _mdn_loss(y, out_mu, out_sigma, out_pi, pre_obs, True)
    loss1, tra3, tra4 = _mdn_loss(y, loc1, scale1, None, pre_obs, False)
    return (loss0, loss1, tra1, tra2, tra3, tra4)

if __name__ == "__main__":
    import jax
    _d = setup_inputs()
    print(jax.jit(kernel)(*tuple(_d.values())))

</pallas_src>

<mosaic_0001>
module attributes {stable_mosaic.version = 14 : i64} {
  func.func @_stats_body(%arg0: i32, %arg1: memref<20x24x1024xf32, #tpu.memory_space<vmem>>, %arg2: memref<20x24x1024xf32, #tpu.memory_space<vmem>>, %arg3: memref<24x1024xf32, #tpu.memory_space<vmem>>, %arg4: memref<20x1024xf32, #tpu.memory_space<vmem>>, %arg5: memref<1x1024xi32, #tpu.memory_space<vmem>>, %arg6: memref<1x1024xi32, #tpu.memory_space<vmem>>, %arg7: memref<1x1024xi32, #tpu.memory_space<vmem>>, %arg8: memref<1x1024xi32, #tpu.memory_space<vmem>>, %arg9: memref<1x128xf32, #tpu.memory_space<vmem>>) attributes {dimension_semantics = [#tpu.dimension_semantics<arbitrary>], iteration_bounds = array<i64: 10>, scalar_prefetch = 0 : i64, scratch_operands = 0 : i64, tpu.core_type = #tpu.core_type<tc>, window_params = [{transform_indices = @transform_0, window_bounds = array<i64: 20, 24, 1024>}, {transform_indices = @transform_1, window_bounds = array<i64: 20, 24, 1024>}, {transform_indices = @transform_2, window_bounds = array<i64: 24, 1024>}, {transform_indices = @transform_3, window_bounds = array<i64: 20, 1024>}, {transform_indices = @transform_4, window_bounds = array<i64: 1, 1024>}, {transform_indices = @transform_5, window_bounds = array<i64: 1, 1024>}, {transform_indices = @transform_6, window_bounds = array<i64: 1, 1024>}, {transform_indices = @transform_7, window_bounds = array<i64: 1, 1024>}, {pipeline_mode = #tpu.pipeline_mode<synchronous>, transform_indices = @transform_8, window_bounds = array<i64: 1, 128>}]} {
    %get3A = arith.constant 0 : index
    %get3A_0 = arith.constant 0 : index
    %get3A_1 = vector.load %arg3[%get3A, %get3A_0] : memref<24x1024xf32, #tpu.memory_space<vmem>>, vector<24x1024xf32>
    %iota3A = tpu.iota {dimensions = array<i32: 0>} : vector<20x1024xi32>
    %mul3A = arith.constant 1024 : i32
    %mul3A_2 = arith.muli %arg0, %mul3A : i32
    %iota3A_3 = tpu.iota {dimensions = array<i32: 1>} : vector<1x1024xi32>
    %add3A = vector.broadcast %mul3A_2 : i32 to vector<1x1024xi32>
    %add3A_4 = arith.addi %add3A, %iota3A_3 : vector<1x1024xi32>
    %iota3A_5 = tpu.iota {dimensions = array<i32: 1>} : vector<1x24x1024xi32>
    %jit3A = arith.constant 2 : i32
    %eq3A = arith.constant 0 : i32
    %eq3A_6 = arith.cmpi eq, %jit3A, %eq3A : i32
    %jit3A_7 = arith.constant 1 : i32
    %select_n3A = arith.select %eq3A_6, %jit3A_7, %jit3A : i32
    %rem3A = vector.broadcast %select_n3A : i32 to vector<1x24x1024xi32>
    %rem3A_8 = arith.remsi %iota3A_5, %rem3A : vector<1x24x1024xi32>
    %ne3A = arith.constant 0 : i32
    %ne3A_9 = vector.broadcast %ne3A : i32 to vector<1x24x1024xi32>
    %ne3A_10 = arith.cmpi ne, %rem3A_8, %ne3A_9 : vector<1x24x1024xi32>
    %lt3A = arith.constant 0 : i32
    %lt3A_11 = vector.broadcast %lt3A : i32 to vector<1x24x1024xi32>
    %lt3A_12 = arith.cmpi slt, %rem3A_8, %lt3A_11 : vector<1x24x1024xi32>
    %lt3A_13 = arith.constant 0 : i32
    %lt3A_14 = arith.cmpi slt, %select_n3A, %lt3A_13 : i32
    %ne3A_15 = vector.broadcast %lt3A_14 : i1 to vector<1x24x1024xi1>
    %ne3A_16 = vector.broadcast %ne3A_15 : vector<1x24x1024xi1> to vector<1x24x1024xi1>
    %ne3A_17 = arith.xori %lt3A_12, %ne3A_16 : vector<1x24x1024xi1>
    %and3A = arith.andi %ne3A_17, %ne3A_10 : vector<1x24x1024xi1>
    %add3A_18 = vector.broadcast %select_n3A : i32 to vector<1x24x1024xi32>
    %add3A_19 = arith.addi %rem3A_8, %add3A_18 : vector<1x24x1024xi32>
    %select_n3A_20 = arith.select %and3A, %add3A_19, %rem3A_8 : vector<1x24x1024xi1>, vector<1x24x1024xi32>
    %eq3A_21 = arith.constant 0 : i32
    %eq3A_22 = vector.broadcast %eq3A_21 : i32 to vector<1x24x1024xi32>
    %eq3A_23 = arith.cmpi eq, %select_n3A_20, %eq3A_22 : vector<1x24x1024xi32>
    %convert_element_type3A = arith.extui %eq3A_23 : vector<1x24x1024xi1> to vector<1x24x1024xi32>
    %convert_element_type3A_24 = arith.sitofp %convert_element_type3A : vector<1x24x1024xi32> to vector<1x24x1024xf32>
    %get3A_25 = arith.constant 0 : index
    %get3A_26 = arith.constant 0 : index
    %get3A_27 = arith.constant 0 : index
    %get3A_28 = vector.load %arg1[%get3A_25, %get3A_26, %get3A_27] : memref<20x24x1024xf32, #tpu.memory_space<vmem>>, vector<20x24x1024xf32>
    %broadcast_in_dim3A = vector.shape_cast %get3A_1 : vector<24x1024xf32> to vector<1x24x1024xf32>
    %sub3A = vector.broadcast %broadcast_in_dim3A : vector<1x24x1024xf32> to vector<20x24x1024xf32>
    %sub3A_29 = arith.subf %get3A_28, %sub3A : vector<20x24x1024xf32>
    %mul3A_30 = arith.mulf %sub3A_29, %sub3A_29 : vector<20x24x1024xf32>
    %roll3A = arith.constant 23 : i32
    %roll3A_31 = tpu.dynamic_rotate %mul3A_30 by %roll3A dim 1 : vector<20x24x1024xf32>, i32 -> vector<20x24x1024xf32>
    %add3A_32 = arith.addf %mul3A_30, %roll3A_31 : vector<20x24x1024xf32>
    %sqrt3A = math.sqrt %add3A_32 : vector<20x24x1024xf32>
    %mul3A_33 = vector.broadcast %convert_element_type3A_24 : vector<1x24x1024xf32> to vector<20x24x1024xf32>
    %mul3A_34 = arith.mulf %sqrt3A, %mul3A_33 : vector<20x24x1024xf32>
    %reduce_sum3A = arith.constant dense<0.000000e+00> : vector<20x1024xf32>
    %reduce_sum3A_35 = vector.multi_reduction <add>, %mul3A_34, %reduce_sum3A [1] : vector<20x24x1024xf32> to vector<20x1024xf32>
    %slice3A = vector.extract_strided_slice %add3A_32 {offsets = [0, 22, 0], sizes = [20, 1, 1024], strides = [1, 1, 1]} : vector<20x24x1024xf32> to vector<20x1x1024xf32>
    %squeeze3A = vector.shape_cast %slice3A : vector<20x1x1024xf32> to vector<20x1024xf32>
    %sqrt3A_36 = math.sqrt %squeeze3A : vector<20x1024xf32>
    %reduce_min3A = arith.constant dense<0x7F800000> : vector<1024xf32>
    %reduce_min3A_37 = vector.multi_reduction <minimumf>, %reduce_sum3A_35, %reduce_min3A [0] : vector<20x1024xf32> to vector<1024xf32>
    %broadcast_in_dim3A_38 = vector.shape_cast %reduce_min3A_37 : vector<1024xf32> to vector<1x1024xf32>
    %eq3A_39 = vector.broadcast %broadcast_in_dim3A_38 : vector<1x1024xf32> to vector<20x1024xf32>
    %eq3A_40 = arith.cmpf oeq, %reduce_sum3A_35, %eq3A_39 : vector<20x1024xf32>
    %jit3A_41 = arith.constant 20 : i32
    %broadcast_in_dim3A_42 = vector.broadcast %jit3A_41 : i32 to vector<20x1024xi32>
    %select_n3A_43 = arith.select %eq3A_40, %iota3A, %broadcast_in_dim3A_42 : vector<20x1024xi1>, vector<20x1024xi32>
    %reduce_min3A_44 = arith.constant dense<2147483647> : vector<1024xi32>
    %reduce_min3A_45 = vector.multi_reduction <minsi>, %select_n3A_43, %reduce_min3A_44 [0] : vector<20x1024xi32> to vector<1024xi32>
    %broadcast_in_dim3A_46 = vector.shape_cast %reduce_min3A_45 : vector<1024xi32> to vector<1x1024xi32>
    %reduce_min3A_47 = arith.constant dense<0x7F800000> : vector<1024xf32>
    %reduce_min3A_48 = vector.multi_reduction <minimumf>, %sqrt3A_36, %reduce_min3A_47 [0] : vector<20x1024xf32> to vector<1024xf32>
    %broadcast_in_dim3A_49 = vector.shape_cast %reduce_min3A_48 : vector<1024xf32> to vector<1x1024xf32>
    %eq3A_50 = vector.broadcast %broadcast_in_dim3A_49 : vector<1x1024xf32> to vector<20x1024xf32>
    %eq3A_51 = arith.cmpf oeq, %sqrt3A_36, %eq3A_50 : vector<20x1024xf32>
    %jit3A_52 = arith.constant 20 : i32
    %broadcast_in_dim3A_53 = vector.broadcast %jit3A_52 : i32 to vector<20x1024xi32>
    %select_n3A_54 = arith.select %eq3A_51, %iota3A, %broadcast_in_dim3A_53 : vector<20x1024xi1>, vector<20x1024xi32>
    %reduce_min3A_55 = arith.constant dense<2147483647> : vector<1024xi32>
    %reduce_min3A_56 = vector.multi_reduction <minsi>, %select_n3A_54, %reduce_min3A_55 [0] : vector<20x1024xi32> to vector<1024xi32>
    %broadcast_in_dim3A_57 = vector.shape_cast %reduce_min3A_56 : vector<1024xi32> to vector<1x1024xi32>
    %get3A_58 = arith.constant 0 : index
    %get3A_59 = arith.constant 0 : index
    %get3A_60 = arith.constant 0 : index
    %get3A_61 = vector.load %arg2[%get3A_58, %get3A_59, %get3A_60] : memref<20x24x1024xf32, #tpu.memory_space<vmem>>, vector<20x24x1024xf32>
    %broadcast_in_dim3A_62 = vector.shape_cast %get3A_1 : vector<24x1024xf32> to vector<1x24x1024xf32>
    %sub3A_63 = vector.broadcast %broadcast_in_dim3A_62 : vector<1x24x1024xf32> to vector<20x24x1024xf32>
    %sub3A_64 = arith.subf %get3A_61, %sub3A_63 : vector<20x24x1024xf32>
    %mul3A_65 = arith.mulf %sub3A_64, %sub3A_64 : vector<20x24x1024xf32>
    %roll3A_66 = arith.constant 23 : i32
    %roll3A_67 = tpu.dynamic_rotate %mul3A_65 by %roll3A_66 dim 1 : vector<20x24x1024xf32>, i32 -> vector<20x24x1024xf32>
    %add3A_68 = arith.addf %mul3A_65, %roll3A_67 : vector<20x24x1024xf32>
    %sqrt3A_69 = math.sqrt %add3A_68 : vector<20x24x1024xf32>
    %mul3A_70 = vector.broadcast %convert_element_type3A_24 : vector<1x24x1024xf32> to vector<20x24x1024xf32>
    %mul3A_71 = arith.mulf %sqrt3A_69, %mul3A_70 : vector<20x24x1024xf32>
    %reduce_sum3A_72 = arith.constant dense<0.000000e+00> : vector<20x1024xf32>
    %reduce_sum3A_73 = vector.multi_reduction <add>, %mul3A_71, %reduce_sum3A_72 [1] : vector<20x24x1024xf32> to vector<20x1024xf32>
    %slice3A_74 = vector.extract_strided_slice %add3A_68 {offsets = [0, 22, 0], sizes = [20, 1, 1024], strides = [1, 1, 1]} : vector<20x24x1024xf32> to vector<20x1x1024xf32>
    %squeeze3A_75 = vector.shape_cast %slice3A_74 : vector<20x1x1024xf32> to vector<20x1024xf32>
    %sqrt3A_76 = math.sqrt %squeeze3A_75 : vector<20x1024xf32>
    %reduce_min3A_77 = arith.constant dense<0x7F800000> : vector<1024xf32>
    %reduce_min3A_78 = vector.multi_reduction <minimumf>, %reduce_sum3A_73, %reduce_min3A_77 [0] : vector<20x1024xf32> to vector<1024xf32>
    %broadcast_in_dim3A_79 = vector.shape_cast %reduce_min3A_78 : vector<1024xf32> to vector<1x1024xf32>
    %eq3A_80 = vector.broadcast %broadcast_in_dim3A_79 : vector<1x1024xf32> to vector<20x1024xf32>
    %eq3A_81 = arith.cmpf oeq, %reduce_sum3A_73, %eq3A_80 : vector<20x1024xf32>
    %jit3A_82 = arith.constant 20 : i32
    %broadcast_in_dim3A_83 = vector.broadcast %jit3A_82 : i32 to vector<20x1024xi32>
    %select_n3A_84 = arith.select %eq3A_81, %iota3A, %broadcast_in_dim3A_83 : vector<20x1024xi1>, vector<20x1024xi32>
    %reduce_min3A_85 = arith.constant dense<2147483647> : vector<1024xi32>
    %reduce_min3A_86 = vector.multi_reduction <minsi>, %select_n3A_84, %reduce_min3A_85 [0] : vector<20x1024xi32> to vector<1024xi32>
    %broadcast_in_dim3A_87 = vector.shape_cast %reduce_min3A_86 : vector<1024xi32> to vector<1x1024xi32>
    %reduce_min3A_88 = arith.constant dense<0x7F800000> : vector<1024xf32>
    %reduce_min3A_89 = vector.multi_reduction <minimumf>, %sqrt3A_76, %reduce_min3A_88 [0] : vector<20x1024xf32> to vector<1024xf32>
    %broadcast_in_dim3A_90 = vector.shape_cast %reduce_min3A_89 : vector<1024xf32> to vector<1x1024xf32>
    %eq3A_91 = vector.broadcast %broadcast_in_dim3A_90 : vector<1x1024xf32> to vector<20x1024xf32>
    %eq3A_92 = arith.cmpf oeq, %sqrt3A_76, %eq3A_91 : vector<20x1024xf32>
    %jit3A_93 = arith.constant 20 : i32
    %broadcast_in_dim3A_94 = vector.broadcast %jit3A_93 : i32 to vector<20x1024xi32>
    %select_n3A_95 = arith.select %eq3A_92, %iota3A, %broadcast_in_dim3A_94 : vector<20x1024xi1>, vector<20x1024xi32>
    %reduce_min3A_96 = arith.constant dense<2147483647> : vector<1024xi32>
    %reduce_min3A_97 = vector.multi_reduction <minsi>, %select_n3A_95, %reduce_min3A_96 [0] : vector<20x1024xi32> to vector<1024xi32>
    %broadcast_in_dim3A_98 = vector.shape_cast %reduce_min3A_97 : vector<1024xi32> to vector<1x1024xi32>
    %neg3A = arith.constant 0.000000e+00 : f32
    %neg3A_99 = vector.broadcast %neg3A : f32 to vector<20x1024xf32>
    %neg3A_100 = arith.subf %neg3A_99, %reduce_sum3A_35 : vector<20x1024xf32>
    %div3A = arith.constant 1.200000e+01 : f32
    %div3A_101 = vector.broadcast %div3A : f32 to vector<20x1024xf32>
    %div3A_102 = arith.divf %neg3A_100, %div3A_101 : vector<20x1024xf32>
    %reduce_max3A = arith.constant dense<0xFF800000> : vector<1024xf32>
    %reduce_max3A_103 = vector.multi_reduction <maximumf>, %div3A_102, %reduce_max3A [0] : vector<20x1024xf32> to vector<1024xf32>
    %broadcast_in_dim3A_104 = vector.shape_cast %reduce_max3A_103 : vector<1024xf32> to vector<1x1024xf32>
    %sub3A_105 = vector.broadcast %broadcast_in_dim3A_104 : vector<1x1024xf32> to vector<20x1024xf32>
    %sub3A_106 = arith.subf %div3A_102, %sub3A_105 : vector<20x1024xf32>
    %exp3A = math.exp %sub3A_106 : vector<20x1024xf32>
    %reduce_sum3A_107 = arith.constant dense<0.000000e+00> : vector<1024xf32>
    %reduce_sum3A_108 = vector.multi_reduction <add>, %exp3A, %reduce_sum3A_107 [0] : vector<20x1024xf32> to vector<1024xf32>
    %broadcast_in_dim3A_109 = vector.shape_cast %reduce_sum3A_108 : vector<1024xf32> to vector<1x1024xf32>
    %div3A_110 = vector.broadcast %broadcast_in_dim3A_109 : vector<1x1024xf32> to vector<20x1024xf32>
    %div3A_111 = arith.divf %exp3A, %div3A_110 : vector<20x1024xf32>
    %get3A_112 = arith.constant 0 : index
    %get3A_113 = arith.constant 0 : index
    %get3A_114 = vector.load %arg4[%get3A_112, %get3A_113] : memref<20x1024xf32, #tpu.memory_space<vmem>>, vector<20x1024xf32>
    %reduce_max3A_115 = arith.constant dense<0xFF800000> : vector<1024xf32>
    %reduce_max3A_116 = vector.multi_reduction <maximumf>, %get3A_114, %reduce_max3A_115 [0] : vector<20x1024xf32> to vector<1024xf32>
    %broadcast_in_dim3A_117 = vector.shape_cast %reduce_max3A_116 : vector<1024xf32> to vector<1x1024xf32>
    %sub3A_118 = vector.broadcast %broadcast_in_dim3A_117 : vector<1x1024xf32> to vector<20x1024xf32>
    %sub3A_119 = arith.subf %get3A_114, %sub3A_118 : vector<20x1024xf32>
    %exp3A_120 = math.exp %sub3A_119 : vector<20x1024xf32>
    %reduce_sum3A_121 = arith.constant dense<0.000000e+00> : vector<1024xf32>
    %reduce_sum3A_122 = vector.multi_reduction <add>, %exp3A_120, %reduce_sum3A_121 [0] : vector<20x1024xf32> to vector<1024xf32>
    %broadcast_in_dim3A_123 = vector.shape_cast %reduce_sum3A_122 : vector<1024xf32> to vector<1x1024xf32>
    %log3A = math.log %broadcast_in_dim3A_123 : vector<1x1024xf32>
    %sub3A_124 = vector.broadcast %log3A : vector<1x1024xf32> to vector<20x1024xf32>
    %sub3A_125 = arith.subf %sub3A_119, %sub3A_124 : vector<20x1024xf32>
    %mul3A_126 = arith.mulf %div3A_111, %sub3A_125 : vector<20x1024xf32>
    %reduce_sum3A_127 = arith.constant dense<0.000000e+00> : vector<1024xf32>
    %reduce_sum3A_128 = vector.multi_reduction <add>, %mul3A_126, %reduce_sum3A_127 [0] : vector<20x1024xf32> to vector<1024xf32>
    %broadcast_in_dim3A_129 = vector.shape_cast %reduce_sum3A_128 : vector<1024xf32> to vector<1x1024xf32>
    %lt3A_130 = arith.constant 10000 : i32
    %lt3A_131 = vector.broadcast %lt3A_130 : i32 to vector<1x1024xi32>
    %lt3A_132 = arith.cmpi slt, %add3A_4, %lt3A_131 : vector<1x1024xi32>
    %jit3A_133 = arith.constant 0.000000e+00 : f32
    %broadcast_in_dim3A_134 = vector.broadcast %jit3A_133 : f32 to vector<1x1024xf32>
    %select_n3A_135 = arith.select %lt3A_132, %broadcast_in_dim3A_129, %broadcast_in_dim3A_134 : vector<1x1024xi1>, vector<1x1024xf32>
    %reduce_sum3A_136 = vector.shape_cast %select_n3A_135 : vector<1x1024xf32> to vector<1x1x1024xf32>
    %reduce_sum3A_137 = arith.constant dense<0.000000e+00> : vector<1xf32>
    %reduce_sum3A_138 = vector.multi_reduction <add>, %reduce_sum3A_136, %reduce_sum3A_137 [1, 2] : vector<1x1x1024xf32> to vector<1xf32>
    %reduce_sum3A_139 = vector.shape_cast %reduce_sum3A_138 : vector<1xf32> to vector<1x1x1xf32>
    %reduce_sum3A_140 = vector.extract %reduce_sum3A_139[0, 0, 0] : f32 from vector<1x1x1xf32>
    %mul3A_141 = arith.constant 10000 : i32
    %mul3A_142 = vector.broadcast %mul3A_141 : i32 to vector<1x1024xi32>
    %mul3A_143 = arith.muli %broadcast_in_dim3A_46, %mul3A_142 : vector<1x1024xi32>
    %add3A_144 = arith.addi %mul3A_143, %add3A_4 : vector<1x1024xi32>
    %swap3A = arith.constant 0 : index
    %swap3A_145 = arith.constant 0 : index
    %swap3A_146 = vector.load %arg5[%swap3A, %swap3A_145] : memref<1x1024xi32, #tpu.memory_space<vmem>>, vector<1x1024xi32>
    tpu.vector_store %arg5[%swap3A, %swap3A_145], %add3A_144 {strides = array<i32>} : memref<1x1024xi32, #tpu.memory_space<vmem>>, vector<1x1024xi32>,
    %mul3A_147 = arith.constant 10000 : i32
    %mul3A_148 = vector.broadcast %mul3A_147 : i32 to vector<1x1024xi32>
    %mul3A_149 = arith.muli %broadcast_in_dim3A_57, %mul3A_148 : vector<1x1024xi32>
    %add3A_150 = arith.addi %mul3A_149, %add3A_4 : vector<1x1024xi32>
    %swap3A_151 = arith.constant 0 : index
    %swap3A_152 = arith.constant 0 : index
    %swap3A_153 = vector.load %arg6[%swap3A_151, %swap3A_152] : memref<1x1024xi32, #tpu.memory_space<vmem>>, vector<1x1024xi32>
    tpu.vector_store %arg6[%swap3A_151, %swap3A_152], %add3A_150 {strides = array<i32>} : memref<1x1024xi32, #tpu.memory_space<vmem>>, vector<1x1024xi32>,
    %mul3A_154 = arith.constant 10000 : i32
    %mul3A_155 = vector.broadcast %mul3A_154 : i32 to vector<1x1024xi32>
    %mul3A_156 = arith.muli %broadcast_in_dim3A_87, %mul3A_155 : vector<1x1024xi32>
    %add3A_157 = arith.addi %mul3A_156, %add3A_4 : vector<1x1024xi32>
    %swap3A_158 = arith.constant 0 : index
    %swap3A_159 = arith.constant 0 : index
    %swap3A_160 = vector.load %arg7[%swap3A_158, %swap3A_159] : memref<1x1024xi32, #tpu.memory_space<vmem>>, vector<1x1024xi32>
    tpu.vector_store %arg7[%swap3A_158, %swap3A_159], %add3A_157 {strides = array<i32>} : memref<1x1024xi32, #tpu.memory_space<vmem>>, vector<1x1024xi32>,
    %mul3A_161 = arith.constant 10000 : i32
    %mul3A_162 = vector.broadcast %mul3A_161 : i32 to vector<1x1024xi32>
    %mul3A_163 = arith.muli %broadcast_in_dim3A_98, %mul3A_162 : vector<1x1024xi32>
    %add3A_164 = arith.addi %mul3A_163, %add3A_4 : vector<1x1024xi32>
    %swap3A_165 = arith.constant 0 : index
    %swap3A_166 = arith.constant 0 : index
    %swap3A_167 = vector.load %arg8[%swap3A_165, %swap3A_166] : memref<1x1024xi32, #tpu.memory_space<vmem>>, vector<1x1024xi32>
    tpu.vector_store %arg8[%swap3A_165, %swap3A_166], %add3A_164 {strides = array<i32>} : memref<1x1024xi32, #tpu.memory_space<vmem>>, vector<1x1024xi32>,
    %iota3A_168 = tpu.iota {dimensions = array<i32: 1>} : vector<1x128xi32>
    %eq3A_169 = arith.constant 0 : i32
    %eq3A_170 = arith.cmpi eq, %arg0, %eq3A_169 : i32
    %convert_element_type3A_171 = arith.extui %eq3A_170 : i1 to i32
    %cond3A = arith.constant 0 : i32
    %cond3A_172 = arith.cmpi ne, %convert_element_type3A_171, %cond3A : i32
    scf.if %cond3A_172 {
      %broadcast_in_dim3A_187 = arith.constant 0.000000e+00 : f32
      %broadcast_in_dim3A_188 = vector.broadcast %broadcast_in_dim3A_187 : f32 to vector<1x128xf32>
      %swap3A_189 = arith.constant 0 : index
      %swap3A_190 = arith.constant 0 : index
      %swap3A_191 = vector.load %arg9[%swap3A_189, %swap3A_190] : memref<1x128xf32, #tpu.memory_space<vmem>>, vector<1x128xf32>
      tpu.vector_store %arg9[%swap3A_189, %swap3A_190], %broadcast_in_dim3A_188 {strides = array<i32>} : memref<1x128xf32, #tpu.memory_space<vmem>>, vector<1x128xf32>,
    } else {
    }
    %get3A_173 = arith.constant 0 : index
    %get3A_174 = arith.constant 0 : index
    %get3A_175 = vector.load %arg9[%get3A_173, %get3A_174] : memref<1x128xf32, #tpu.memory_space<vmem>>, vector<1x128xf32>
    %eq3A_176 = arith.constant 0 : i32
    %eq3A_177 = vector.broadcast %eq3A_176 : i32 to vector<1x128xi32>
    %eq3A_178 = arith.cmpi eq, %iota3A_168, %eq3A_177 : vector<1x128xi32>
    %jit3A_179 = arith.constant 0.000000e+00 : f32
    %broadcast_in_dim3A_180 = vector.broadcast %reduce_sum3A_140 : f32 to vector<1x128xf32>
    %broadcast_in_dim3A_181 = vector.broadcast %jit3A_179 : f32 to vector<1x128xf32>
    %select_n3A_182 = arith.select %eq3A_178, %broadcast_in_dim3A_180, %broadcast_in_dim3A_181 : vector<1x128xi1>, vector<1x128xf32>
    %add3A_183 = arith.addf %get3A_175, %select_n3A_182 : vector<1x128xf32>
    %swap3A_184 = arith.constant 0 : index
    %swap3A_185 = arith.constant 0 : index
    %swap3A_186 = vector.load %arg9[%swap3A_184, %swap3A_185] : memref<1x128xf32, #tpu.memory_space<vmem>>, vector<1x128xf32>
    tpu.vector_store %arg9[%swap3A_184, %swap3A_185], %add3A_183 {strides = array<i32>} : memref<1x128xf32, #tpu.memory_space<vmem>>, vector<1x128xf32>,
    return
  }
  func.func @transform_0(%arg0: i32) -> (i32, i32, i32) {
    %c0_i32 = arith.constant 0 : i32
    %c0_i32_0 = arith.constant 0 : i32
    %c0_i32_1 = arith.constant 0 : i32
    return %c0_i32, %c0_i32_0, %arg0 : i32, i32, i32
  }
  func.func @transform_1(%arg0: i32) -> (i32, i32, i32) {
    %c0_i32 = arith.constant 0 : i32
    %c0_i32_0 = arith.constant 0 : i32
    %c0_i32_1 = arith.constant 0 : i32
    return %c0_i32, %c0_i32_0, %arg0 : i32, i32, i32
  }
  func.func @transform_2(%arg0: i32) -> (i32, i32) {
    %c0_i32 = arith.constant 0 : i32
    %c0_i32_0 = arith.constant 0 : i32
    return %c0_i32, %arg0 : i32, i32
  }
  func.func @transform_3(%arg0: i32) -> (i32, i32) {
    %c0_i32 = arith.constant 0 : i32
    %c0_i32_0 = arith.constant 0 : i32
    return %c0_i32, %arg0 : i32, i32
  }
  func.func @transform_4(%arg0: i32) -> (i32, i32) {
    %c0_i32 = arith.constant 0 : i32
    %c0_i32_0 = arith.constant 0 : i32
    return %c0_i32, %arg0 : i32, i32
  }
  func.func @transform_5(%arg0: i32) -> (i32, i32) {
    %c0_i32 = arith.constant 0 : i32
    %c0_i32_0 = arith.constant 0 : i32
    return %c0_i32, %arg0 : i32, i32
  }
  func.func @transform_6(%arg0: i32) -> (i32, i32) {
    %c0_i32 = arith.constant 0 : i32
    %c0_i32_0 = arith.constant 0 : i32
    return %c0_i32, %arg0 : i32, i32
  }
  func.func @transform_7(%arg0: i32) -> (i32, i32) {
    %c0_i32 = arith.constant 0 : i32
    %c0_i32_0 = arith.constant 0 : i32
    return %c0_i32, %arg0 : i32, i32
  }
  func.func @transform_8(%arg0: i32) -> (i32, i32) {
    %c0_i32 = arith.constant 0 : i32
    %c0_i32_0 = arith.constant 0 : i32
    %c0_i32_1 = arith.constant 0 : i32
    return %c0_i32, %c0_i32_0 : i32, i32
  }
}

module attributes {stable_mosaic.version = 14 : i64} {
  func.func @_nll_body(%arg0: i32, %arg1: memref<200x24xf32, #tpu.memory_space<vmem>>, %arg2: memref<200x24xf32, #tpu.memory_space<vmem>>, %arg3: memref<200x24xf32, #tpu.memory_space<vmem>>, %arg4: memref<200x24xf32, #tpu.memory_space<vmem>>, %arg5: memref<200x24xf32, #tpu.memory_space<vmem>>, %arg6: memref<1x128xf32, #tpu.memory_space<vmem>>) attributes {dimension_semantics = [#tpu.dimension_semantics<arbitrary>], iteration_bounds = array<i64: 50>, scalar_prefetch = 0 : i64, scratch_operands = 0 : i64, tpu.core_type = #tpu.core_type<tc>, window_params = [{transform_indices = @transform_0, window_bounds = array<i64: 200, 24>}, {transform_indices = @transform_1, window_bounds = array<i64: 200, 24>}, {transform_indices = @transform_2, window_bounds = array<i64: 200, 24>}, {transform_indices = @transform_3, window_bounds = array<i64: 200, 24>}, {transform_indices = @transform_4, window_bounds = array<i64: 200, 24>}, {pipeline_mode = #tpu.pipeline_mode<synchronous>, transform_indices = @transform_5, window_bounds = array<i64: 1, 128>}]} {
    %get3A = arith.constant 0 : index
    %get3A_0 = arith.constant 0 : index
    %get3A_1 = vector.load %arg1[%get3A, %get3A_0] : memref<200x24xf32, #tpu.memory_space<vmem>>, vector<200x24xf32>
    %get3A_2 = arith.constant 0 : index
    %get3A_3 = arith.constant 0 : index
    %get3A_4 = vector.load %arg2[%get3A_2, %get3A_3] : memref<200x24xf32, #tpu.memory_space<vmem>>, vector<200x24xf32>
    %get3A_5 = arith.constant 0 : index
    %get3A_6 = arith.constant 0 : index
    %get3A_7 = vector.load %arg3[%get3A_5, %get3A_6] : memref<200x24xf32, #tpu.memory_space<vmem>>, vector<200x24xf32>
    %max3A = arith.constant 9.99999997E-7 : f32
    %max3A_8 = vector.broadcast %max3A : f32 to vector<200x24xf32>
    %max3A_9 = arith.maximumf %get3A_7, %max3A_8 : vector<200x24xf32>
    %mul3A = arith.constant 2.000000e+00 : f32
    %mul3A_10 = vector.broadcast %mul3A : f32 to vector<200x24xf32>
    %mul3A_11 = arith.mulf %mul3A_10, %max3A_9 : vector<200x24xf32>
    %log3A = math.log %mul3A_11 : vector<200x24xf32>
    %sub3A = arith.subf %get3A_1, %get3A_4 : vector<200x24xf32>
    %abs3A = math.absf %sub3A : vector<200x24xf32>
    %div3A = arith.divf %abs3A, %max3A_9 : vector<200x24xf32>
    %add3A = arith.addf %log3A, %div3A : vector<200x24xf32>
    %reduce_sum3A = vector.shape_cast %add3A : vector<200x24xf32> to vector<1x200x24xf32>
    %reduce_sum3A_12 = arith.constant dense<0.000000e+00> : vector<1xf32>
    %reduce_sum3A_13 = vector.multi_reduction <add>, %reduce_sum3A, %reduce_sum3A_12 [1, 2] : vector<1x200x24xf32> to vector<1xf32>
    %reduce_sum3A_14 = vector.shape_cast %reduce_sum3A_13 : vector<1xf32> to vector<1x1x1xf32>
    %reduce_sum3A_15 = vector.extract %reduce_sum3A_14[0, 0, 0] : f32 from vector<1x1x1xf32>
    %get3A_16 = arith.constant 0 : index
    %get3A_17 = arith.constant 0 : index
    %get3A_18 = vector.load %arg4[%get3A_16, %get3A_17] : memref<200x24xf32, #tpu.memory_space<vmem>>, vector<200x24xf32>
    %get3A_19 = arith.constant 0 : index
    %get3A_20 = arith.constant 0 : index
    %get3A_21 = vector.load %arg5[%get3A_19, %get3A_20] : memref<200x24xf32, #tpu.memory_space<vmem>>, vector<200x24xf32>
    %max3A_22 = arith.constant 9.99999997E-7 : f32
    %max3A_23 = vector.broadcast %max3A_22 : f32 to vector<200x24xf32>
    %max3A_24 = arith.maximumf %get3A_21, %max3A_23 : vector<200x24xf32>
    %mul3A_25 = arith.constant 2.000000e+00 : f32
    %mul3A_26 = vector.broadcast %mul3A_25 : f32 to vector<200x24xf32>
    %mul3A_27 = arith.mulf %mul3A_26, %max3A_24 : vector<200x24xf32>
    %log3A_28 = math.log %mul3A_27 : vector<200x24xf32>
    %sub3A_29 = arith.subf %get3A_1, %get3A_18 : vector<200x24xf32>
    %abs3A_30 = math.absf %sub3A_29 : vector<200x24xf32>
    %div3A_31 = arith.divf %abs3A_30, %max3A_24 : vector<200x24xf32>
    %add3A_32 = arith.addf %log3A_28, %div3A_31 : vector<200x24xf32>
    %reduce_sum3A_33 = vector.shape_cast %add3A_32 : vector<200x24xf32> to vector<1x200x24xf32>
    %reduce_sum3A_34 = arith.constant dense<0.000000e+00> : vector<1xf32>
    %reduce_sum3A_35 = vector.multi_reduction <add>, %reduce_sum3A_33, %reduce_sum3A_34 [1, 2] : vector<1x200x24xf32> to vector<1xf32>
    %reduce_sum3A_36 = vector.shape_cast %reduce_sum3A_35 : vector<1xf32> to vector<1x1x1xf32>
    %reduce_sum3A_37 = vector.extract %reduce_sum3A_36[0, 0, 0] : f32 from vector<1x1x1xf32>
    %iota3A = tpu.iota {dimensions = array<i32: 1>} : vector<1x128xi32>
    %eq3A = arith.constant 0 : i32
    %eq3A_38 = arith.cmpi eq, %arg0, %eq3A : i32
    %convert_element_type3A = arith.extui %eq3A_38 : i1 to i32
    %cond3A = arith.constant 0 : i32
    %cond3A_39 = arith.cmpi ne, %convert_element_type3A, %cond3A : i32
    scf.if %cond3A_39 {
      %broadcast_in_dim3A_58 = arith.constant 0.000000e+00 : f32
      %broadcast_in_dim3A_59 = vector.broadcast %broadcast_in_dim3A_58 : f32 to vector<1x128xf32>
      %swap3A_60 = arith.constant 0 : index
      %swap3A_61 = arith.constant 0 : index
      %swap3A_62 = vector.load %arg6[%swap3A_60, %swap3A_61] : memref<1x128xf32, #tpu.memory_space<vmem>>, vector<1x128xf32>
      tpu.vector_store %arg6[%swap3A_60, %swap3A_61], %broadcast_in_dim3A_59 {strides = array<i32>} : memref<1x128xf32, #tpu.memory_space<vmem>>, vector<1x128xf32>,
    } else {
    }
    %get3A_40 = arith.constant 0 : index
    %get3A_41 = arith.constant 0 : index
    %get3A_42 = vector.load %arg6[%get3A_40, %get3A_41] : memref<1x128xf32, #tpu.memory_space<vmem>>, vector<1x128xf32>
    %eq3A_43 = arith.constant 0 : i32
    %eq3A_44 = vector.broadcast %eq3A_43 : i32 to vector<1x128xi32>
    %eq3A_45 = arith.cmpi eq, %iota3A, %eq3A_44 : vector<1x128xi32>
    %jit3A = arith.constant 0.000000e+00 : f32
    %broadcast_in_dim3A = vector.broadcast %reduce_sum3A_15 : f32 to vector<1x128xf32>
    %broadcast_in_dim3A_46 = vector.broadcast %jit3A : f32 to vector<1x128xf32>
    %select_n3A = arith.select %eq3A_45, %broadcast_in_dim3A, %broadcast_in_dim3A_46 : vector<1x128xi1>, vector<1x128xf32>
    %eq3A_47 = arith.constant 1 : i32
    %eq3A_48 = vector.broadcast %eq3A_47 : i32 to vector<1x128xi32>
    %eq3A_49 = arith.cmpi eq, %iota3A, %eq3A_48 : vector<1x128xi32>
    %jit3A_50 = arith.constant 0.000000e+00 : f32
    %broadcast_in_dim3A_51 = vector.broadcast %reduce_sum3A_37 : f32 to vector<1x128xf32>
    %broadcast_in_dim3A_52 = vector.broadcast %jit3A_50 : f32 to vector<1x128xf32>
    %select_n3A_53 = arith.select %eq3A_49, %broadcast_in_dim3A_51, %broadcast_in_dim3A_52 : vector<1x128xi1>, vector<1x128xf32>
    %add3A_54 = arith.addf %select_n3A, %select_n3A_53 : vector<1x128xf32>
    %add3A_55 = arith.addf %get3A_42, %add3A_54 : vector<1x128xf32>
    %swap3A = arith.constant 0 : index
    %swap3A_56 = arith.constant 0 : index
    %swap3A_57 = vector.load %arg6[%swap3A, %swap3A_56] : memref<1x128xf32, #tpu.memory_space<vmem>>, vector<1x128xf32>
    tpu.vector_store %arg6[%swap3A, %swap3A_56], %add3A_55 {strides = array<i32>} : memref<1x128xf32, #tpu.memory_space<vmem>>, vector<1x128xf32>,
    return
  }
  func.func @transform_0(%arg0: i32) -> (i32, i32) {
    %c0_i32 = arith.constant 0 : i32
    %c0_i32_0 = arith.constant 0 : i32
    return %arg0, %c0_i32 : i32, i32
  }
  func.func @transform_1(%arg0: i32) -> (i32, i32) {
    %c0_i32 = arith.constant 0 : i32
    %c0_i32_0 = arith.constant 0 : i32
    return %arg0, %c0_i32 : i32, i32
  }
  func.func @transform_2(%arg0: i32) -> (i32, i32) {
    %c0_i32 = arith.constant 0 : i32
    %c0_i32_0 = arith.constant 0 : i32
    return %arg0, %c0_i32 : i32, i32
  }
  func.func @transform_3(%arg0: i32) -> (i32, i32) {
    %c0_i32 = arith.constant 0 : i32
    %c0_i32_0 = arith.constant 0 : i32
    return %arg0, %c0_i32 : i32, i32
  }
  func.func @transform_4(%arg0: i32) -> (i32, i32) {
    %c0_i32 = arith.constant 0 : i32
    %c0_i32_0 = arith.constant 0 : i32
    return %arg0, %c0_i32 : i32, i32
  }
  func.func @transform_5(%arg0: i32) -> (i32, i32) {
    %c0_i32 = arith.constant 0 : i32
    %c0_i32_0 = arith.constant 0 : i32
    %c0_i32_1 = arith.constant 0 : i32
    return %c0_i32, %c0_i32_0 : i32, i32
  }
}

</mosaic_0001>

<sc_bundles>
// kernel: gather_offload_async_start.1
scs
__scs_entry_jumppad:
0x0: {  	(pc) =	sbr.rel $0x88, $3  }
0x1: {  	(tag) =	ssettag $0x0;
	lr =	simm.s32 $0x1  }
0x2: {  	[smem:$0x3F9A] =	sst lr;
	_ =	strace $0xD0000000  }
0x3: {  	_ = 	snop  }
0x4: {  	_ = 	snop  }
0x5: {  	_ = 	snop  }
0x6: {  	_ = 	snop  }
0x7: {  	_ = 	snop  }
__scs_overlays_trampoline_lowered:
0x8: {  	[smem:$0x3FA9] =	sst s0  }
0x9: {  	[smem:$0x3FAA] =	sst s1  }
0xa: {  	[smem:$0x3FAB] =	sst s2  }
0xb: {  	[smem:$0x3FAC] =	sst s3  }
0xc: {  	[smem:$0x3FAD] =	sst s4  }
0xd: {  	[smem:$0x3FAE] =	sst s5  }
0xe: {  	[smem:$0x3FAF] =	sst s6  }
0xf: {  	[smem:$0x3FB0] =	sst s7  }
0x10: {  	[smem:$0x3FB1] =	sst s8  }
0x11: {  	[smem:$0x3FB2] =	sst s9;
	s0 =	simm.s32 @!p0 $0x0  }
0x12: {  	s1 =	sld [smem:$0x3F98];
	s0 =	simm.s32 @p0 $0x1  }
0x13: {  	[smem:$0x3FB3] =	sst s0;
	s0 =	simm.s32 @!p1 $0x0  }
0x14: {  	s2 =	sld [smem:$0x3F97];
	s0 =	simm.s32 @p1 $0x1  }
0x15: {  	[smem:$0x3FB4] =	sst s0;
	s0 =	simm.s32 @!p2 $0x0  }
0x16: {  	s3 =	sld [smem:$0x3FDB];
	s0 =	simm.s32 @p2 $0x1  }
0x17: {  	s4 =	simm.s32 $0x1BF5;
	[smem:$0x3FB6] =	sst s0  }
0x18: {  	s0 =	sld [smem:$0x3F99];
	_ =	swait.ge [sflag:s4], $0x0  }
0x19: {  	s7 =	sld [smem:$0x3F9A]  }
0x1a: {  	s8 =	sadd.s32 $0xFFFFE003, lr  }
0x1b: {  	s9 =	sadd.s32 $0xFFFFFEF7, lr;
	s5 =	simm.s32 $0xFFFFFFFF;
	p2 =	slt.u32 s8, $0xFFFFF086  }
0x1c: {  	p1 =	slt.u32 s9, $0xF7A;
	s5 =	simm.s32 @!p2 $0x0  }
0x1d: {  	s5 =	simm.s32 @p1 $0x1;
	p0 =	seq.s32 s7, s2  }
0x1e: {  	s7 =	smul.u32 @!p0 $0xF7A, s2;
	p2 =	seq.s32 @!p0 s5, $0x0  }
0x1f: {  	s9 =	smul.u32 $0xF7A, s1;
	s8 =	simm.s32 @!p0 $0x1BF5;
	p2 =	por !p2, p0  }
0x20: {  	[sflag:s8] =	ssyncset.s32 @!p0 $0xFFFFF086;
	s6 =	sadd.s32 @!p0 s3, s7;
	s7 =	simm.s32 @!p0 $0x108  }
0x21: {  	s3 =	sadd.s32 s3, s9;
	s6 =	sadd.s32 @!p0 $0x88, s6;
	s7 =	simm.s32 @p2 $0x1082  }
0x22: {  	[simem:s7], [sflag:s8] =	dma.local @!p0 [hbm:s6], $0xF7A  }
0x23: {  	s9 =	sor.u32 $0xD0000000, s2;
	s6 =	simm.s32 $0x108;
	_ =	swait.ge @!p0 [sflag:s8], $0x0  }
0x24: {  	s3 =	sadd.s32 $0x88, s3;
	s6 =	simm.s32 @!p1 $0x1082;
	[sflag:s4] =	ssyncset.s32 $0xFFFFF086  }
0x25: {  	[simem:s6], [sflag:s4] =	dma.local [hbm:s3], $0xF7A  }
0x26: {  	[smem:$0x3F9A] =	sst s1;
	(tag) =	ssettag s2;
	_ =	strace s9  }
0x27: {  	s1 =	sld [smem:$0x3FAA]  }
0x28: {  	s2 =	sld [smem:$0x3FAB]  }
0x29: {  	s4 =	sld [smem:$0x3FAD]  }
0x2a: {  	p0 =	seq.s32 s5, $0x0;
	s5 =	sld [smem:$0x3FAE]  }
0x2b: {  	s6 =	sld [smem:$0x3FAF]  }
0x2c: {  	s7 =	sld [smem:$0x3FB0]  }
0x2d: {  	s3 =	simm.s32 $0x108;
	s8 =	sld [smem:$0x3FB1]  }
0x2e: {  	s3 =	simm.s32 @!p0 $0x1082;
	s9 =	sld [smem:$0x3FB2]  }
0x2f: {  	lr =	sadd.s32 s0, s3;
	s0 =	sld [smem:$0x3FA9]  }
0x30: {  	s3 =	sld [smem:$0x3FAC]  }
0x31: {  	[smem:$0x3FB5] =	sst s10  }
0x32: {  	s10 =	sld [smem:$0x3FB3];
	_ =	sdelay $0x3  }
0x33: {  	p0 =	seq.s32 s10, $0x1;
	s10 =	sld [smem:$0x3FB5];
	_ =	sdelay $0x3  }
0x34: {  	[smem:$0x3FB5] =	sst s10  }
0x35: {  	s10 =	sld [smem:$0x3FB4];
	_ =	sdelay $0x3  }
0x36: {  	p1 =	seq.s32 s10, $0x1;
	s10 =	sld [smem:$0x3FB5];
	_ =	sdelay $0x3  }
0x37: {  	[smem:$0x3FB5] =	sst s10  }
0x38: {  	s10 =	sld [smem:$0x3FB6]  }
0x39: {  	_ = 	snop;
	(pc) =	sbr.ind lr, $3  }
0x3a: {  	_ = 	snop  }
0x3b: {  	_ = 	snop  }
0x3c: {  	p2 =	seq.s32 s10, $0x1;
	s10 =	sld [smem:$0x3FB5]  }
0x3d: {  	_ =	shalt  }
0x3e: {  	_ =	shalt  }
0x3f: {  	_ =	shalt  }
0x40: {  	_ =	shalt  }
0x41: {  	_ =	shalt  }
0x42: {  	_ =	shalt  }
0x43: {  	_ =	shalt  }
0x44: {  	_ =	shalt  }
0x45: {  	_ =	shalt  }
0x46: {  	_ =	shalt  }
0x47: {  	_ =	shalt  }
0x48: {  	_ =	shalt  }
0x49: {  	_ =	shalt  }
0x4a: {  	_ =	shalt  }
0x4b: {  	_ =	shalt  }
0x4c: {  	_ =	shalt  }
0x4d: {  	_ =	shalt  }
0x4e: {  	_ =	shalt  }
0x4f: {  	_ =	shalt  }
0x50: {  	_ =	shalt  }
0x51: {  	_ =	shalt  }
0x52: {  	_ =	shalt  }
0x53: {  	_ =	shalt  }
0x54: {  	_ =	shalt  }
0x55: {  	_ =	shalt  }
0x56: {  	_ =	shalt  }
0x57: {  	_ =	shalt  }
0x58: {  	_ =	shalt  }
0x59: {  	_ =	shalt  }
0x5a: {  	_ =	shalt  }
0x5b: {  	_ =	shalt  }
0x5c: {  	_ =	shalt  }
0x5d: {  	_ =	shalt  }
0x5e: {  	_ =	shalt  }
0x5f: {  	_ =	shalt  }
0x60: {  	_ =	shalt  }
0x61: {  	_ =	shalt  }
0x62: {  	_ =	shalt  }
0x63: {  	_ =	shalt  }
0x64: {  	_ =	shalt  }
0x65: {  	_ =	shalt  }
0x66: {  	_ =	shalt  }
0x67: {  	_ =	shalt  }
0x68: {  	_ =	shalt  }
0x69: {  	_ =	shalt  }
0x6a: {  	_ =	shalt  }
0x6b: {  	_ =	shalt  }
0x6c: {  	_ =	shalt  }
0x6d: {  	_ =	shalt  }
0x6e: {  	_ =	shalt  }
0x6f: {  	_ =	shalt  }
0x70: {  	_ =	shalt  }
0x71: {  	_ =	shalt  }
0x72: {  	_ =	shalt  }
0x73: {  	_ =	shalt  }
0x74: {  	_ =	shalt  }
0x75: {  	_ =	shalt  }
0x76: {  	_ =	shalt  }
0x77: {  	_ =	shalt  }
0x78: {  	_ =	shalt  }
0x79: {  	_ =	shalt  }
0x7a: {  	_ =	shalt  }
0x7b: {  	_ =	shalt  }
0x7c: {  	_ =	shalt  }
0x7d: {  	_ =	shalt  }
0x7e: {  	_ =	shalt  }
0x7f: {  	_ =	shalt  }
0x80: {  	_ =	shalt  }
0x81: {  	_ =	shalt  }
0x82: {  	_ =	shalt  }
0x83: {  	_ =	shalt  }
0x84: {  	_ =	shalt  }
0x85: {  	_ =	shalt  }
0x86: {  	_ =	shalt  }
0x87: {  	_ =	shalt  }
.Lfunc_end0:
.L_simem_size_0:
called_computation.1_lowered:
.L_overlay_start_0:
0x88: {  	s0 =	sld [smem:$0x3FD9]  }
0x89: {  	s1 =	sld [smem:$0x3FFE];
	_ =	sdelay $0x3  }
0x8a: {  	s0 =	sadd.s32 s1, s0  }
0x8b: {  	[smem:$0x3FC1] =	sst s0  }
0x8c: {  	_ = 	snop  }
0x8d: {  	s0 =	sld [smem:$0x3FD0];
	_ =	sdelay $0x2  }
0x8e: {  	s13 =	simm.s32 $0xD;
	s2 =	simm.s32 $0x10  }
0x8f: {  	[smem:s2], [sflag:s13] =	dma.local [hbm:s0], $0x1  }
0x90: {  	_ =	swait.eq [sflag:s13], $0x1  }
0x91: {  	[sflag:s13] =	ssyncset.done $0x0  }
0x92: {  	[sflag:s13] =	ssyncadd.s32 $0xFFFFFFFF  }
0x93: {  	s14 =	sld [smem:$0x14];
	(tm) =	ssettm $0x1  }
0x94: {  	s15 =	sld [smem:$0x3FFB];
	_ =	sdelay $0x3  }
0x95: {  	_ =	strace s15  }
0x96: {  	s1 =	sld [smem:$0x3FFC];
	_ =	sdelay $0x3  }
0x97: {  	_ =	strace s1  }
0x98: {  	s1 =	sld [smem:$0x3FFD];
	_ =	sdelay $0x3  }
0x99: {  	_ =	strace s1  }
0x9a: {  	_ =	strace $0x8FFFFFFF  }
0x9b: {  	s16 =	sld [smem:$0x3FDB];
	_ =	sdelay $0x1  }
0x9c: {  	s17 =	simm.s32 $_scs_section_size  }
0x9d: {  	s3 =	simm.s32 $_size__tile_overlayer_lowered;
	s4 =	simm.s32 $_tile_overlayer_lowered  }
0x9e: {  	s20 =	simm.s32 $0x1BFF;
	s19 =	sshll.u32 s4, $0x1;
	s1 =	sadd.s32 s17, s16  }
0x9f: {  	s5 =	simm.s32 $0x0;
	s18 =	sshll.u32 s3, $0x1;
	s3 =	sadd.s32 s19, s1  }
0xa0: {  	[timem:s5], [sflag:s20] =	dma.local [hbm:s3], s18  }
0xa1: {  	_ =	swait.ge [sflag:s20], s18  }
0xa2: {  	s2 =	ssub.s32 $0x0, s18;
	[sflag:s20] =	ssyncset.done $0x0  }
0xa3: {  	[sflag:s20] =	ssyncadd.s32 s2;
	_ =	sdelay $0x1  }
0xa4: {  	s21 =	simm.s32 $0x1B8B  }
0xa5: {  	_ =	swait.ge [sflag:s21], $0x1  }
0xa6: {  	[sflag:s21] =	ssyncset.done $0x0  }
0xa7: {  	s23 =	simm.s32 $0x1B8E;
	s22 =	sld [smem:$0x3FFE];
	[sflag:s21] =	ssyncadd.s32 $0xFFFFFFFF  }
0xa8: {  	s24 =	simm.s32 $execute0_lowered;
	[smem:$0x3FD2] =	sst s23  }
0xa9: {  	s3 =	sshll.u32 s24, $0x1;
	_ =	strace $0x80000055;
	[dreg:$0x1] =	wrdreg $0xFFFFFFFF  }
0xaa: {  	s25 =	simm.s32 $_size_execute0_lowered;
	s1 =	sadd.s32 s1, s3;
	[dreg:$0x0] =	wrdreg $0x0  }
0xab: {  	s3 =	sshll.u32 s25, $0x1;
	[dreg:$0x2] =	wrdreg s1  }
0xac: {  	[dreg:$0x3] =	wrdreg s3  }
0xad: {  	[dreg:$0x4] =	wrdreg $0xC0  }
0xae: {  	_ =	task [dreg:s5], $0x5FFFF  }
0xaf: {  	[dreg:$0x1] =	wrdreg $0xFFFFFFFF  }
0xb0: {  	[dreg:$0x0] =	wrdreg $0x60  }
0xb1: {  	[dreg:$0x2] =	wrdreg s22  }
0xb2: {  	[dreg:$0x3] =	wrdreg s14  }
0xb3: {  	[dreg:$0x4] =	wrdreg $0xA  }
0xb4: {  	_ =	task.clear_ibuf [dreg:s5], $0x5FFFF;
	_ =	strace $0x90000055  }
0xb5: {  	s26 =	simm.s32 $0xA;
	_ =	strace $0x80000057  }
0xb6: {  	_ =	swait.ge [sflag:s26], $0x1  }
0xb7: {  	[sflag:s26] =	ssyncadd.s32 $0xFFFFFFFF  }
0xb8: {  	_ =	strace $0x90000057  }
0xb9: {  	_ =	sfence  }
0xba: {  	s28 =	sld [smem:$0x0];
	_ =	sdelay $0x1  }
0xbb: {  	s29 =	srdreg.scid  }
0xbc: {  	s30 =	sshll.u32 s29, $0xD;
	s31 =	sshrl.u32 s29, $0x2  }
0xbd: {  	s2 =	sand.u32 $0x4000, s30;
	s1 =	sand.u32 $0x1, s29;
	s0 =	sadd.s32 s31, s28  }
0xbe: {  	s1 =	sor.u32 s2, s1;
	s0 =	sshll.u32 s0, $0x11  }
0xbf: {  	s0 =	sor.u32 s0, s1  }
0xc0: {  	s0 =	sadd.s32 $0x8F2B, s0  }
0xc1: {  	[sflag:s0] =	ssyncadd.remote.s32 $0x1  }
0xc2: {  	_ =	sfence.sel $0xFFFF  }
0xc3: {  	[dreg:$0x0] =	wrdreg $0xFFFFFFFF;
	(pc) =	sbr.abs _section_cstart, $3  }
0xc4: {  	[dreg:$0x1] =	wrdreg $0xFFFFFFFF  }
0xc5: {  	_ =	task.clear_ibuf [dreg:s5], $0x2FFFF;
	_ =	strace $0x9FFFFFFF  }
0xc6: {  	(tm) =	ssettm $0x7FFFFFFF  }
0xc7: {  	_ =	shalt  }
tec
execute0_lowered:
.L_overlay_start_1:
0x0: {  	(tag) =	ssettag $0x1  }
0x1: {  	s0 =	stileid.u32  }
0x2: {  	s1 =	smin.u32 s0, $0x9  }
0x3: {  	s1 =	sadd.s32 s0, s1  }
0x4: {  	s2 =	simm.s32 $0x320;
	p0 =	slt.u32 s0, $0x9;
	s1 =	smul.u32 $0x190, s1  }
0x5: {  	s2 =	simm.s32 @!p0 $0x190  }
0x6: {  	s2 =	sadd.s32 s2, s1  }
0x7: {  	s3 =	smin.u32 s2, $0x2710  }
0x8: {  	s7 =	ssub.s32 s3, s1  }
0x9: {  	p0 =	sgt.s32 s7, $0x0  }
0xa: {  	s7 =	simm.s32 @!p0 $0x0  }
0xb: {  	s31 =	sand.u32 $0xFFF0, s7  }
0xc: {  	s2 =	sshrl.u32 s31, $0x4  }
0xd: {  	s9 =	rddreg [dreg:$0x0];
	s2 =	smul.u32 $0xA3E, s2  }
0xe: {  	s4 =	rddreg [dreg:$0x1];
	s6 =	simm.s32 $0x1  }
0xf: {  	s11 =	simm.s32 $0x3;
	s13 =	simm.s32 $0x0;
	s8 =	sshrl.u32 s2, $0x10  }
0x10: {  	s12 =	simm.s32 $0x0;
	s5 =	sadd.s32 $0xB26200, s9;
	s10 =	smul.u32 $0x190, s8  }
.Ltmp0:
0x11: {  	s9 =	sadd.s32 $0x56000, s9;
	s2 =	rddreg [dreg:$0x2];
	(pc) =	sbr.rel .LBB2_1-.Ltmp0, $4  }
0x12: {  	_ =	strace $0x80000056;
	p0 =	sne.s32 s7, s10;
	s10 =	simm.s32 $0x1  }
0x13: {  	[sflag:s6] =	ssyncpa.u1 $0x0;
	s7 =	simm.s32 $0x2;
	s10 =	simm.s32 @!p0 $0x0  }
0x14: {  	[sflag:s7] =	ssyncpa.u1 $0x0;
	p0 =	por $0x0, $0x0;
	s8 =	sadd.s32 s8, s10  }
0x15: {  	vm0 =	vmmov $0xff;
	vm1 =	vcmask $0x3F20;
	[sflag:s11] =	ssyncpa.u1 $0x0;
	s11 =	smov.u32 s1;
	s10 =	sadd.s32 $0x1, s8  }
.LBB2_6:
0x16: {  	[hbm:s17] =	stream.linear.scatter [tilespmem:s14], [sflag:$0x3], $0x400, $0x38;
	[tilespmem:$0x19320] =	vst v63  }
.LBB2_7:
0x17: {  	s13 =	sadd.s32 $0x190, s11  }
0x18: {  	s15 =	smov.u32 s1;
	p2 =	slt.s32 s13, s3  }
0x19: {  	s15 =	smov.u32 @p2 s13;
	p2 =	sne.s32 s12, s10  }
.Ltmp1:
0x1a: {  	p1 =	slt.u32 s12, $0x2;
	(pc) =	sbr.rel @!p2 .LBB2_8-.Ltmp1, $4  }
0x1b: {  	s14 =	simm.s32 @!p1 $0x3  }
0x1c: {  	s16 =	sadd.s32 $0x1, s12;
	_ =	swait.ge @!p1 [sflag:s14], $0xC800  }
0x1d: {  	p0 =	por !p0, !p0;
	s13 =	smov.u32 s11;
	[sflag:s14] =	ssyncset.done @!p1 $0x0  }
0x1e: {  	s12 =	smov.u32 s16;
	s11 =	smov.u32 s15;
	[sflag:s14] =	ssyncadd.s32 @!p1 $0xFFFF3800  }
.LBB2_1:
0x1f: {  	p1 =	sge.u32 s12, s8  }
0x20: {  	s14 =	sxor.u32 @!p1 $0xFFFFFFFF, s12  }
0x21: {  	s14 =	sand.u32 @!p1 $0x1, s14  }
0x22: {  	s14 =	smul.u32 @!p1 $0x640, s14  }
0x23: {  	s31 =	sadd.s32 $0xFFFFFFFF, s12;
	s15 =	sshrl.u32 @!p1 s11, $0x3  }
0x24: {  	s16 =	sand.u32 @!p1 $0x7, s11;
	s15 =	sadd.s32 @!p1 s4, s15;
	s14 =	sshrl.u32 @!p1 s14, $0x2  }
0x25: {  	[tilespmem:s14], [sflag:$0x2] =	stream.linear.gather @!p1 [hbm4b:s15+s16], $0x190, $0x38;
	[tilespmem:$0x19320] =	vst v63  }
0x26: {  	p1 =	sge.u32 s31, s8  }
.Ltmp2:
0x27: {  	_ = 	snop;
	(pc) =	sbr.rel @p1 .LBB2_7-.Ltmp2, $1  }
0x28: {  	_ =	sdelay $0x3  }
0x29: {  	s14 =	simm.s32 $0x1  }
0x2a: {  	s14 =	simm.s32 @!p0 $0x0  }
0x2b: {  	s15 =	smul.u32 $0x640, s14  }
0x2c: {  	_ =	swait.ge [sflag:s7], $0x190  }
0x2d: {  	[sflag:s7] =	ssyncset.done $0x0;
	s16 =	sshrl.u32 s15, $0x2  }
0x2e: {  	[sflag:s7] =	ssyncadd.s32 $0xFFFFFE70;
	s15 =	sadd.s32 $0x0, s16  }
0x2f: {  	v0 =	vld.msk [tilespmem:s15+$0x0 ss:$0x1], $0xffff;
	_ =	sdelay $0x4  }
0x30: {  	vm2 =	vgt.s32 v0, $0x0  }
0x31: {  	v0 =	vnsel vm2, $0x0, v0  }
0x32: {  	v0 =	vmin.u32 v0, $0x30D3F  }
0x33: {  	v0 =	vshll.u32 v0, $0x4  }
0x34: {  	s14 =	smul.u32 $0x32000, s14;
	_ =	sdelay $0x1  }
0x35: {  	s14 =	sshrl.u32 s14, $0x2  }
0x36: {  	s14 =	sor.u32 $0x320, s14  }
0x37: {  	[tilespmem:s14], [sflag:$0x1] =	stream.indirect_vreg.gather [hbm:s5], $0x80, v0, vm0, $0x38;
	[tilespmem:$0x19320] =	vst v63  }
0x38: {  	s17 =	sadd.s32 $0x10, s16;
	s15 =	sadd.s32 $0x400, s14  }
0x39: {  	[tilespmem:s15], [sflag:$0x1] =	stream.indirect_vreg.gather [hbm:s5], $0x80, v0, vm1, $0x38;
	[tilespmem:$0x19320] =	vst v63  }
0x3a: {  	s18 =	simm.s32 $0x80;
	v0 =	vld.msk [tilespmem:s17+$0x0 ss:$0x1], $0xffff;
	s17 =	smov.u32 s14  }
.LBB2_3:
0x3b: {  	p1 =	sne.s32 s18, $0x600;
	_ =	sdelay $0x4  }
0x3c: {  	vm2 =	vgt.s32 v0, $0x0  }
0x3d: {  	v0 =	vnsel vm2, $0x0, v0  }
0x3e: {  	v0 =	vmin.u32 v0, $0x30D3F  }
0x3f: {  	v0 =	vshll.u32 v0, $0x4;
	_ =	sdelay $0x3  }
.Ltmp3:
0x40: {  	s19 =	sshra.s32 s18, $0x2;
	s17 =	sadd.s32 $0x800, s17;
	(pc) =	sbr.rel @p1 .LBB2_3-.Ltmp3, $4  }
0x41: {  	[tilespmem:s17], [sflag:$0x1] =	stream.indirect_vreg.gather [hbm:s5], $0x80, v0, vm0, $0x38;
	[tilespmem:$0x19320] =	vst v63  }
0x42: {  	s19 =	sadd.s32 s19, s16;
	s20 =	sadd.s32 $0x400, s17  }
0x43: {  	[tilespmem:s20], [sflag:$0x1] =	stream.indirect_vreg.gather [hbm:s5], $0x80, v0, vm1, $0x38;
	[tilespmem:$0x19320] =	vst v63  }
0x44: {  	s18 =	sadd.s32 $0x40, s18;
	v0 =	vld.msk [tilespmem:s19+$0x0 ss:$0x1], $0xffff  }
0x45: {  	_ =	sdelay $0x3  }
0x46: {  	vm2 =	vgt.s32 v0, $0x0  }
0x47: {  	v0 =	vnsel vm2, $0x0, v0  }
0x48: {  	v0 =	vmin.u32 v0, $0x30D3F  }
0x49: {  	v0 =	vshll.u32 v0, $0x4;
	_ =	sdelay $0x3  }
0x4a: {  	s16 =	sadd.s32 $0x800, s17  }
0x4b: {  	[tilespmem:s16], [sflag:$0x1] =	stream.indirect_vreg.gather [hbm:s5], $0x80, v0, vm0, $0x38;
	[tilespmem:$0x19320] =	vst v63  }
0x4c: {  	s16 =	sadd.s32 $0x400, s16  }
0x4d: {  	[tilespmem:s16], [sflag:$0x1] =	stream.indirect_vreg.gather [hbm:s5], $0x80, v0, vm1, $0x38;
	[tilespmem:$0x19320] =	vst v63  }
0x4e: {  	s13 =	sshll.u32 s13, $0x4;
	_ =	swait.ge [sflag:s6], $0xC800  }
0x4f: {  	s13 =	sadd.s32 s13, s9;
	[sflag:s6] =	ssyncset.done $0x0  }
0x50: {  	s17 =	sadd.s32 $0x0, s13;
	s16 =	simm.s32 $0x80;
	[sflag:s6] =	ssyncadd.s32 $0xFFFF3800  }
.LBB2_5:
0x51: {  	[hbm:s17] =	stream.linear.scatter [tilespmem:s14], [sflag:$0x3], $0x400, $0x38;
	[tilespmem:$0x19320] =	vst v63  }
0x52: {  	s17 =	smov.u32 s16;
	s14 =	smov.u32 s15;
	p1 =	sne.s32 s16, $0x1880  }
.Ltmp4:
0x53: {  	s16 =	sadd.s32 $0x80, s16;
	(pc) =	sbr.rel @p1 .LBB2_5-.Ltmp4, $2  }
0x54: {  	_ =	sdelay $0x2  }
0x55: {  	s15 =	sadd.s32 $0x400, s15;
	s17 =	sadd.s32 s17, s13  }
.Ltmp5:
0x56: {  	_ = 	snop;
	(pc) =	sbr.rel .LBB2_6-.Ltmp5, $1  }
0x57: {  	_ =	sdelay $0x3  }
.LBB2_8:
0x58: {  	_ =	sfence.sel $0x180000  }
0x59: {  	s1 =	simm.s32 $0x2;
	[bflag:$0x0] =	sbarrier.arrive $0xFFFF  }
0x5a: {  	s30 =	simm.s32 $0x3;
	[sflag:s1] =	ssyncpa.u1 $0x1  }
0x5b: {  	s31 =	simm.s32 $0x1;
	[sflag:s30] =	ssyncpa.u1 $0x1  }
0x5c: {  	[sflag:s31] =	ssyncpa.u1 $0x1  }
0x5d: {  	p0 =	sne.s32 s0, $0x0;
	_ =	strace $0x90000056  }
0x5e: {  	s0 =	sadd.s32 @!p0 $0x100000, s2;
	[bflag:$0x2] =	sbarrier.arrive $0xFFFF  }
0x5f: {  	[sflag:s0] =	ssyncadd.tile.s32 @!p0 $0x1;
	_ =	shalt  }
.Lfunc_end2:
_tile_overlayer_lowered:
.L_overlay_start_2:
0x60: {  	(tag) =	ssettag $0x2  }
0x61: {  	s0 =	rddreg [dreg:$0x0];
	s2 =	stileid.u32  }
0x62: {  	s1 =	rddreg [dreg:$0x1];
	p0 =	sne.s32 s2, $0x0  }
0x63: {  	s3 =	rddreg [dreg:$0x2];
	[bflag:$0x3] =	sbarrier.arrive $0xFFFF;
	s2 =	simm.s32 @!p0 $0x1C01  }
0x64: {  	[timem:s3], [sflag:s2] =	dma.local @!p0 [hbm:s0], s1  }
0x65: {  	s0 =	simm.s32 @!p0 $0x1  }
0x66: {  	_ =	swait.ge @!p0 [sflag:s0], s1  }
0x67: {  	s1 =	ssub.s32 @!p0 $0x0, s1;
	[sflag:s0] =	ssyncset.done @!p0 $0x0  }
0x68: {  	[sflag:s0] =	ssyncadd.s32 @!p0 s1  }
0x69: {  	[bflag:$0x3] =	sbarrier.arrive $0xFFFF  }
0x6a: {  	_ =	shalt  }

// kernel: gather_offload_async_start.2
scs
__scs_entry_jumppad:
0x0: {  	(pc) =	sbr.rel $0x88, $3  }
0x1: {  	(tag) =	ssettag $0x0;
	lr =	simm.s32 $0x1  }
0x2: {  	[smem:$0x3F9A] =	sst lr;
	_ =	strace $0xD0000000  }
0x3: {  	_ = 	snop  }
0x4: {  	_ = 	snop  }
0x5: {  	_ = 	snop  }
0x6: {  	_ = 	snop  }
0x7: {  	_ = 	snop  }
__scs_overlays_trampoline_lowered:
0x8: {  	[smem:$0x3FA9] =	sst s0  }
0x9: {  	[smem:$0x3FAA] =	sst s1  }
0xa: {  	[smem:$0x3FAB] =	sst s2  }
0xb: {  	[smem:$0x3FAC] =	sst s3  }
0xc: {  	[smem:$0x3FAD] =	sst s4  }
0xd: {  	[smem:$0x3FAE] =	sst s5  }
0xe: {  	[smem:$0x3FAF] =	sst s6  }
0xf: {  	[smem:$0x3FB0] =	sst s7  }
0x10: {  	[smem:$0x3FB1] =	sst s8  }
0x11: {  	[smem:$0x3FB2] =	sst s9;
	s0 =	simm.s32 @!p0 $0x0  }
0x12: {  	s1 =	sld [smem:$0x3F98];
	s0 =	simm.s32 @p0 $0x1  }
0x13: {  	[smem:$0x3FB3] =	sst s0;
	s0 =	simm.s32 @!p1 $0x0  }
0x14: {  	s2 =	sld [smem:$0x3F97];
	s0 =	simm.s32 @p1 $0x1  }
0x15: {  	[smem:$0x3FB4] =	sst s0;
	s0 =	simm.s32 @!p2 $0x0  }
0x16: {  	s3 =	sld [smem:$0x3FDB];
	s0 =	simm.s32 @p2 $0x1  }
0x17: {  	s4 =	simm.s32 $0x1BF5;
	[smem:$0x3FB6] =	sst s0  }
0x18: {  	s0 =	sld [smem:$0x3F99];
	_ =	swait.ge [sflag:s4], $0x0  }
0x19: {  	s7 =	sld [smem:$0x3F9A]  }
0x1a: {  	s8 =	sadd.s32 $0xFFFFE003, lr  }
0x1b: {  	s9 =	sadd.s32 $0xFFFFFEF7, lr;
	s5 =	simm.s32 $0xFFFFFFFF;
	p2 =	slt.u32 s8, $0xFFFFF086  }
0x1c: {  	p1 =	slt.u32 s9, $0xF7A;
	s5 =	simm.s32 @!p2 $0x0  }
0x1d: {  	s5 =	simm.s32 @p1 $0x1;
	p0 =	seq.s32 s7, s2  }
0x1e: {  	s7 =	smul.u32 @!p0 $0xF7A, s2;
	p2 =	seq.s32 @!p0 s5, $0x0  }
0x1f: {  	s9 =	smul.u32 $0xF7A, s1;
	s8 =	simm.s32 @!p0 $0x1BF5;
	p2 =	por !p2, p0  }
0x20: {  	[sflag:s8] =	ssyncset.s32 @!p0 $0xFFFFF086;
	s6 =	sadd.s32 @!p0 s3, s7;
	s7 =	simm.s32 @!p0 $0x108  }
0x21: {  	s3 =	sadd.s32 s3, s9;
	s6 =	sadd.s32 @!p0 $0x88, s6;
	s7 =	simm.s32 @p2 $0x1082  }
0x22: {  	[simem:s7], [sflag:s8] =	dma.local @!p0 [hbm:s6], $0xF7A  }
0x23: {  	s9 =	sor.u32 $0xD0000000, s2;
	s6 =	simm.s32 $0x108;
	_ =	swait.ge @!p0 [sflag:s8], $0x0  }
0x24: {  	s3 =	sadd.s32 $0x88, s3;
	s6 =	simm.s32 @!p1 $0x1082;
	[sflag:s4] =	ssyncset.s32 $0xFFFFF086  }
0x25: {  	[simem:s6], [sflag:s4] =	dma.local [hbm:s3], $0xF7A  }
0x26: {  	[smem:$0x3F9A] =	sst s1;
	(tag) =	ssettag s2;
	_ =	strace s9  }
0x27: {  	s1 =	sld [smem:$0x3FAA]  }
0x28: {  	s2 =	sld [smem:$0x3FAB]  }
0x29: {  	s4 =	sld [smem:$0x3FAD]  }
0x2a: {  	p0 =	seq.s32 s5, $0x0;
	s5 =	sld [smem:$0x3FAE]  }
0x2b: {  	s6 =	sld [smem:$0x3FAF]  }
0x2c: {  	s7 =	sld [smem:$0x3FB0]  }
0x2d: {  	s3 =	simm.s32 $0x108;
	s8 =	sld [smem:$0x3FB1]  }
0x2e: {  	s3 =	simm.s32 @!p0 $0x1082;
	s9 =	sld [smem:$0x3FB2]  }
0x2f: {  	lr =	sadd.s32 s0, s3;
	s0 =	sld [smem:$0x3FA9]  }
0x30: {  	s3 =	sld [smem:$0x3FAC]  }
0x31: {  	[smem:$0x3FB5] =	sst s10  }
0x32: {  	s10 =	sld [smem:$0x3FB3];
	_ =	sdelay $0x3  }
0x33: {  	p0 =	seq.s32 s10, $0x1;
	s10 =	sld [smem:$0x3FB5];
	_ =	sdelay $0x3  }
0x34: {  	[smem:$0x3FB5] =	sst s10  }
0x35: {  	s10 =	sld [smem:$0x3FB4];
	_ =	sdelay $0x3  }
0x36: {  	p1 =	seq.s32 s10, $0x1;
	s10 =	sld [smem:$0x3FB5];
	_ =	sdelay $0x3  }
0x37: {  	[smem:$0x3FB5] =	sst s10  }
0x38: {  	s10 =	sld [smem:$0x3FB6]  }
0x39: {  	_ = 	snop;
	(pc) =	sbr.ind lr, $3  }
0x3a: {  	_ = 	snop  }
0x3b: {  	_ = 	snop  }
0x3c: {  	p2 =	seq.s32 s10, $0x1;
	s10 =	sld [smem:$0x3FB5]  }
0x3d: {  	_ =	shalt  }
0x3e: {  	_ =	shalt  }
0x3f: {  	_ =	shalt  }
0x40: {  	_ =	shalt  }
0x41: {  	_ =	shalt  }
0x42: {  	_ =	shalt  }
0x43: {  	_ =	shalt  }
0x44: {  	_ =	shalt  }
0x45: {  	_ =	shalt  }
0x46: {  	_ =	shalt  }
0x47: {  	_ =	shalt  }
0x48: {  	_ =	shalt  }
0x49: {  	_ =	shalt  }
0x4a: {  	_ =	shalt  }
0x4b: {  	_ =	shalt  }
0x4c: {  	_ =	shalt  }
0x4d: {  	_ =	shalt  }
0x4e: {  	_ =	shalt  }
0x4f: {  	_ =	shalt  }
0x50: {  	_ =	shalt  }
0x51: {  	_ =	shalt  }
0x52: {  	_ =	shalt  }
0x53: {  	_ =	shalt  }
0x54: {  	_ =	shalt  }
0x55: {  	_ =	shalt  }
0x56: {  	_ =	shalt  }
0x57: {  	_ =	shalt  }
0x58: {  	_ =	shalt  }
0x59: {  	_ =	shalt  }
0x5a: {  	_ =	shalt  }
0x5b: {  	_ =	shalt  }
0x5c: {  	_ =	shalt  }
0x5d: {  	_ =	shalt  }
0x5e: {  	_ =	shalt  }
0x5f: {  	_ =	shalt  }
0x60: {  	_ =	shalt  }
0x61: {  	_ =	shalt  }
0x62: {  	_ =	shalt  }
0x63: {  	_ =	shalt  }
0x64: {  	_ =	shalt  }
0x65: {  	_ =	shalt  }
0x66: {  	_ =	shalt  }
0x67: {  	_ =	shalt  }
0x68: {  	_ =	shalt  }
0x69: {  	_ =	shalt  }
0x6a: {  	_ =	shalt  }
0x6b: {  	_ =	shalt  }
0x6c: {  	_ =	shalt  }
0x6d: {  	_ =	shalt  }
0x6e: {  	_ =	shalt  }
0x6f: {  	_ =	shalt  }
0x70: {  	_ =	shalt  }
0x71: {  	_ =	shalt  }
0x72: {  	_ =	shalt  }
0x73: {  	_ =	shalt  }
0x74: {  	_ =	shalt  }
0x75: {  	_ =	shalt  }
0x76: {  	_ =	shalt  }
0x77: {  	_ =	shalt  }
0x78: {  	_ =	shalt  }
0x79: {  	_ =	shalt  }
0x7a: {  	_ =	shalt  }
0x7b: {  	_ =	shalt  }
0x7c: {  	_ =	shalt  }
0x7d: {  	_ =	shalt  }
0x7e: {  	_ =	shalt  }
0x7f: {  	_ =	shalt  }
0x80: {  	_ =	shalt  }
0x81: {  	_ =	shalt  }
0x82: {  	_ =	shalt  }
0x83: {  	_ =	shalt  }
0x84: {  	_ =	shalt  }
0x85: {  	_ =	shalt  }
0x86: {  	_ =	shalt  }
0x87: {  	_ =	shalt  }
.Lfunc_end0:
.L_simem_size_0:
called_computation.2_lowered:
.L_overlay_start_0:
0x88: {  	s0 =	sld [smem:$0x3FD9]  }
0x89: {  	s1 =	sld [smem:$0x3FFE];
	_ =	sdelay $0x3  }
0x8a: {  	s0 =	sadd.s32 s1, s0  }
0x8b: {  	[smem:$0x3FC1] =	sst s0  }
0x8c: {  	_ = 	snop  }
0x8d: {  	s0 =	sld [smem:$0x3FD0];
	_ =	sdelay $0x2  }
0x8e: {  	s13 =	simm.s32 $0xD;
	s2 =	simm.s32 $0x10  }
0x8f: {  	[smem:s2], [sflag:s13] =	dma.local [hbm:s0], $0x1  }
0x90: {  	_ =	swait.eq [sflag:s13], $0x1  }
0x91: {  	[sflag:s13] =	ssyncset.done $0x0  }
0x92: {  	[sflag:s13] =	ssyncadd.s32 $0xFFFFFFFF  }
0x93: {  	s14 =	sld [smem:$0x13];
	(tm) =	ssettm $0x1  }
0x94: {  	s15 =	sld [smem:$0x3FFB];
	_ =	sdelay $0x3  }
0x95: {  	_ =	strace s15  }
0x96: {  	s1 =	sld [smem:$0x3FFC];
	_ =	sdelay $0x3  }
0x97: {  	_ =	strace s1  }
0x98: {  	s1 =	sld [smem:$0x3FFD];
	_ =	sdelay $0x3  }
0x99: {  	_ =	strace s1  }
0x9a: {  	_ =	strace $0x8FFFFFFF  }
0x9b: {  	s16 =	sld [smem:$0x3FDB];
	_ =	sdelay $0x1  }
0x9c: {  	s17 =	simm.s32 $_scs_section_size  }
0x9d: {  	s3 =	simm.s32 $_size__tile_overlayer_lowered;
	s4 =	simm.s32 $_tile_overlayer_lowered  }
0x9e: {  	s20 =	simm.s32 $0x1BFF;
	s19 =	sshll.u32 s4, $0x1;
	s1 =	sadd.s32 s17, s16  }
0x9f: {  	s5 =	simm.s32 $0x0;
	s18 =	sshll.u32 s3, $0x1;
	s3 =	sadd.s32 s19, s1  }
0xa0: {  	[timem:s5], [sflag:s20] =	dma.local [hbm:s3], s18  }
0xa1: {  	_ =	swait.ge [sflag:s20], s18  }
0xa2: {  	s2 =	ssub.s32 $0x0, s18;
	[sflag:s20] =	ssyncset.done $0x0  }
0xa3: {  	[sflag:s20] =	ssyncadd.s32 s2;
	_ =	sdelay $0x1  }
0xa4: {  	s21 =	simm.s32 $0x1B8B  }
0xa5: {  	_ =	swait.ge [sflag:s21], $0x1  }
0xa6: {  	[sflag:s21] =	ssyncset.done $0x0  }
0xa7: {  	s23 =	simm.s32 $0x1B8E;
	s22 =	sld [smem:$0x3FFE];
	[sflag:s21] =	ssyncadd.s32 $0xFFFFFFFF  }
0xa8: {  	s24 =	simm.s32 $execute0_lowered;
	[smem:$0x3FD2] =	sst s23  }
0xa9: {  	s3 =	sshll.u32 s24, $0x1;
	_ =	strace $0x80000046;
	[dreg:$0x1] =	wrdreg $0xFFFFFFFF  }
0xaa: {  	s25 =	simm.s32 $_size_execute0_lowered;
	s1 =	sadd.s32 s1, s3;
	[dreg:$0x0] =	wrdreg $0x0  }
0xab: {  	s3 =	sshll.u32 s25, $0x1;
	[dreg:$0x2] =	wrdreg s1  }
0xac: {  	[dreg:$0x3] =	wrdreg s3  }
0xad: {  	[dreg:$0x4] =	wrdreg $0xC0  }
0xae: {  	_ =	task [dreg:s5], $0x5FFFF  }
0xaf: {  	[dreg:$0x1] =	wrdreg $0xFFFFFFFF  }
0xb0: {  	[dreg:$0x0] =	wrdreg $0x60  }
0xb1: {  	[dreg:$0x2] =	wrdreg s22  }
0xb2: {  	[dreg:$0x3] =	wrdreg s14  }
0xb3: {  	[dreg:$0x4] =	wrdreg $0xB  }
0xb4: {  	_ =	task.clear_ibuf [dreg:s5], $0x5FFFF;
	_ =	strace $0x90000046  }
0xb5: {  	s26 =	simm.s32 $0xB;
	_ =	strace $0x80000048  }
0xb6: {  	_ =	swait.ge [sflag:s26], $0x1  }
0xb7: {  	[sflag:s26] =	ssyncadd.s32 $0xFFFFFFFF  }
0xb8: {  	_ =	strace $0x90000048  }
0xb9: {  	_ =	sfence  }
0xba: {  	s28 =	sld [smem:$0x0];
	_ =	sdelay $0x1  }
0xbb: {  	s29 =	srdreg.scid  }
0xbc: {  	s30 =	sshll.u32 s29, $0xD;
	s31 =	sshrl.u32 s29, $0x2  }
0xbd: {  	s2 =	sand.u32 $0x4000, s30;
	s1 =	sand.u32 $0x1, s29;
	s0 =	sadd.s32 s31, s28  }
0xbe: {  	s1 =	sor.u32 s2, s1;
	s0 =	sshll.u32 s0, $0x11  }
0xbf: {  	s0 =	sor.u32 s0, s1  }
0xc0: {  	s0 =	sadd.s32 $0x8F2B, s0  }
0xc1: {  	[sflag:s0] =	ssyncadd.remote.s32 $0x1  }
0xc2: {  	_ =	sfence.sel $0xFFFF  }
0xc3: {  	[dreg:$0x0] =	wrdreg $0xFFFFFFFF;
	(pc) =	sbr.abs _section_cstart, $3  }
0xc4: {  	[dreg:$0x1] =	wrdreg $0xFFFFFFFF  }
0xc5: {  	_ =	task.clear_ibuf [dreg:s5], $0x2FFFF;
	_ =	strace $0x9FFFFFFF  }
0xc6: {  	(tm) =	ssettm $0x7FFFFFFF  }
0xc7: {  	_ =	shalt  }
tec
execute0_lowered:
.L_overlay_start_1:
0x0: {  	(tag) =	ssettag $0x1  }
0x1: {  	s0 =	stileid.u32  }
0x2: {  	s1 =	smin.u32 s0, $0x9  }
0x3: {  	s1 =	sadd.s32 s0, s1  }
0x4: {  	s2 =	simm.s32 $0x320;
	p0 =	slt.u32 s0, $0x9;
	s1 =	smul.u32 $0x190, s1  }
0x5: {  	s2 =	simm.s32 @!p0 $0x190  }
0x6: {  	s2 =	sadd.s32 s2, s1  }
0x7: {  	s3 =	smin.u32 s2, $0x2710  }
0x8: {  	s7 =	ssub.s32 s3, s1  }
0x9: {  	p0 =	sgt.s32 s7, $0x0  }
0xa: {  	s7 =	simm.s32 @!p0 $0x0  }
0xb: {  	s31 =	sand.u32 $0xFFF0, s7  }
0xc: {  	s2 =	sshrl.u32 s31, $0x4  }
0xd: {  	s9 =	rddreg [dreg:$0x0];
	s2 =	smul.u32 $0xA3E, s2  }
0xe: {  	s4 =	rddreg [dreg:$0x1];
	s6 =	simm.s32 $0x1  }
0xf: {  	s11 =	simm.s32 $0x3;
	s13 =	simm.s32 $0x0;
	s8 =	sshrl.u32 s2, $0x10  }
0x10: {  	s12 =	simm.s32 $0x0;
	s5 =	sadd.s32 $0x1FE600, s9;
	s10 =	smul.u32 $0x190, s8  }
.Ltmp0:
0x11: {  	s9 =	sadd.s32 $0x7800, s9;
	s2 =	rddreg [dreg:$0x2];
	(pc) =	sbr.rel .LBB2_1-.Ltmp0, $4  }
0x12: {  	_ =	strace $0x80000047;
	p0 =	sne.s32 s7, s10;
	s10 =	simm.s32 $0x1  }
0x13: {  	[sflag:s6] =	ssyncpa.u1 $0x0;
	s7 =	simm.s32 $0x2;
	s10 =	simm.s32 @!p0 $0x0  }
0x14: {  	[sflag:s7] =	ssyncpa.u1 $0x0;
	p0 =	por $0x0, $0x0;
	s8 =	sadd.s32 s8, s10  }
0x15: {  	vm0 =	vmmov $0xff;
	vm1 =	vcmask $0x3F20;
	[sflag:s11] =	ssyncpa.u1 $0x0;
	s11 =	smov.u32 s1;
	s10 =	sadd.s32 $0x1, s8  }
.LBB2_6:
0x16: {  	[hbm:s17] =	stream.linear.scatter [tilespmem:s14], [sflag:$0x3], $0x400, $0x38;
	[tilespmem:$0x19320] =	vst v63  }
.LBB2_7:
0x17: {  	s13 =	sadd.s32 $0x190, s11  }
0x18: {  	s15 =	smov.u32 s1;
	p2 =	slt.s32 s13, s3  }
0x19: {  	s15 =	smov.u32 @p2 s13;
	p2 =	sne.s32 s12, s10  }
.Ltmp1:
0x1a: {  	p1 =	slt.u32 s12, $0x2;
	(pc) =	sbr.rel @!p2 .LBB2_8-.Ltmp1, $4  }
0x1b: {  	s14 =	simm.s32 @!p1 $0x3  }
0x1c: {  	s16 =	sadd.s32 $0x1, s12;
	_ =	swait.ge @!p1 [sflag:s14], $0xC800  }
0x1d: {  	p0 =	por !p0, !p0;
	s13 =	smov.u32 s11;
	[sflag:s14] =	ssyncset.done @!p1 $0x0  }
0x1e: {  	s12 =	smov.u32 s16;
	s11 =	smov.u32 s15;
	[sflag:s14] =	ssyncadd.s32 @!p1 $0xFFFF3800  }
.LBB2_1:
0x1f: {  	p1 =	sge.u32 s12, s8  }
0x20: {  	s14 =	sxor.u32 @!p1 $0xFFFFFFFF, s12  }
0x21: {  	s14 =	sand.u32 @!p1 $0x1, s14  }
0x22: {  	s14 =	smul.u32 @!p1 $0x640, s14  }
0x23: {  	s31 =	sadd.s32 $0xFFFFFFFF, s12;
	s15 =	sshrl.u32 @!p1 s11, $0x3  }
0x24: {  	s16 =	sand.u32 @!p1 $0x7, s11;
	s15 =	sadd.s32 @!p1 s4, s15;
	s14 =	sshrl.u32 @!p1 s14, $0x2  }
0x25: {  	[tilespmem:s14], [sflag:$0x2] =	stream.linear.gather @!p1 [hbm4b:s15+s16], $0x190, $0x38;
	[tilespmem:$0x19320] =	vst v63  }
0x26: {  	p1 =	sge.u32 s31, s8  }
.Ltmp2:
0x27: {  	_ = 	snop;
	(pc) =	sbr.rel @p1 .LBB2_7-.Ltmp2, $1  }
0x28: {  	_ =	sdelay $0x3  }
0x29: {  	s14 =	simm.s32 $0x1  }
0x2a: {  	s14 =	simm.s32 @!p0 $0x0  }
0x2b: {  	s15 =	smul.u32 $0x640, s14  }
0x2c: {  	_ =	swait.ge [sflag:s7], $0x190  }
0x2d: {  	[sflag:s7] =	ssyncset.done $0x0;
	s16 =	sshrl.u32 s15, $0x2  }
0x2e: {  	[sflag:s7] =	ssyncadd.s32 $0xFFFFFE70;
	s15 =	sadd.s32 $0x0, s16  }
0x2f: {  	v0 =	vld.msk [tilespmem:s15+$0x0 ss:$0x1], $0xffff;
	_ =	sdelay $0x4  }
0x30: {  	vm2 =	vgt.s32 v0, $0x0  }
0x31: {  	v0 =	vnsel vm2, $0x0, v0  }
0x32: {  	v0 =	vmin.u32 v0, $0x30D3F  }
0x33: {  	v0 =	vshll.u32 v0, $0x4  }
0x34: {  	s14 =	smul.u32 $0x32000, s14;
	_ =	sdelay $0x1  }
0x35: {  	s14 =	sshrl.u32 s14, $0x2  }
0x36: {  	s14 =	sor.u32 $0x320, s14  }
0x37: {  	[tilespmem:s14], [sflag:$0x1] =	stream.indirect_vreg.gather [hbm:s5], $0x80, v0, vm0, $0x38;
	[tilespmem:$0x19320] =	vst v63  }
0x38: {  	s17 =	sadd.s32 $0x10, s16;
	s15 =	sadd.s32 $0x400, s14  }
0x39: {  	[tilespmem:s15], [sflag:$0x1] =	stream.indirect_vreg.gather [hbm:s5], $0x80, v0, vm1, $0x38;
	[tilespmem:$0x19320] =	vst v63  }
0x3a: {  	s18 =	simm.s32 $0x80;
	v0 =	vld.msk [tilespmem:s17+$0x0 ss:$0x1], $0xffff;
	s17 =	smov.u32 s14  }
.LBB2_3:
0x3b: {  	p1 =	sne.s32 s18, $0x600;
	_ =	sdelay $0x4  }
0x3c: {  	vm2 =	vgt.s32 v0, $0x0  }
0x3d: {  	v0 =	vnsel vm2, $0x0, v0  }
0x3e: {  	v0 =	vmin.u32 v0, $0x30D3F  }
0x3f: {  	v0 =	vshll.u32 v0, $0x4;
	_ =	sdelay $0x3  }
.Ltmp3:
0x40: {  	s19 =	sshra.s32 s18, $0x2;
	s17 =	sadd.s32 $0x800, s17;
	(pc) =	sbr.rel @p1 .LBB2_3-.Ltmp3, $4  }
0x41: {  	[tilespmem:s17], [sflag:$0x1] =	stream.indirect_vreg.gather [hbm:s5], $0x80, v0, vm0, $0x38;
	[tilespmem:$0x19320] =	vst v63  }
0x42: {  	s19 =	sadd.s32 s19, s16;
	s20 =	sadd.s32 $0x400, s17  }
0x43: {  	[tilespmem:s20], [sflag:$0x1] =	stream.indirect_vreg.gather [hbm:s5], $0x80, v0, vm1, $0x38;
	[tilespmem:$0x19320] =	vst v63  }
0x44: {  	s18 =	sadd.s32 $0x40, s18;
	v0 =	vld.msk [tilespmem:s19+$0x0 ss:$0x1], $0xffff  }
0x45: {  	_ =	sdelay $0x3  }
0x46: {  	vm2 =	vgt.s32 v0, $0x0  }
0x47: {  	v0 =	vnsel vm2, $0x0, v0  }
0x48: {  	v0 =	vmin.u32 v0, $0x30D3F  }
0x49: {  	v0 =	vshll.u32 v0, $0x4;
	_ =	sdelay $0x3  }
0x4a: {  	s16 =	sadd.s32 $0x800, s17  }
0x4b: {  	[tilespmem:s16], [sflag:$0x1] =	stream.indirect_vreg.gather [hbm:s5], $0x80, v0, vm0, $0x38;
	[tilespmem:$0x19320] =	vst v63  }
0x4c: {  	s16 =	sadd.s32 $0x400, s16  }
0x4d: {  	[tilespmem:s16], [sflag:$0x1] =	stream.indirect_vreg.gather [hbm:s5], $0x80, v0, vm1, $0x38;
	[tilespmem:$0x19320] =	vst v63  }
0x4e: {  	s13 =	sshll.u32 s13, $0x4;
	_ =	swait.ge [sflag:s6], $0xC800  }
0x4f: {  	s13 =	sadd.s32 s13, s9;
	[sflag:s6] =	ssyncset.done $0x0  }
0x50: {  	s17 =	sadd.s32 $0x0, s13;
	s16 =	simm.s32 $0x80;
	[sflag:s6] =	ssyncadd.s32 $0xFFFF3800  }
.LBB2_5:
0x51: {  	[hbm:s17] =	stream.linear.scatter [tilespmem:s14], [sflag:$0x3], $0x400, $0x38;
	[tilespmem:$0x19320] =	vst v63  }
0x52: {  	s17 =	smov.u32 s16;
	s14 =	smov.u32 s15;
	p1 =	sne.s32 s16, $0x1880  }
.Ltmp4:
0x53: {  	s16 =	sadd.s32 $0x80, s16;
	(pc) =	sbr.rel @p1 .LBB2_5-.Ltmp4, $2  }
0x54: {  	_ =	sdelay $0x2  }
0x55: {  	s15 =	sadd.s32 $0x400, s15;
	s17 =	sadd.s32 s17, s13  }
.Ltmp5:
0x56: {  	_ = 	snop;
	(pc) =	sbr.rel .LBB2_6-.Ltmp5, $1  }
0x57: {  	_ =	sdelay $0x3  }
.LBB2_8:
0x58: {  	_ =	sfence.sel $0x180000  }
0x59: {  	s1 =	simm.s32 $0x2;
	[bflag:$0x0] =	sbarrier.arrive $0xFFFF  }
0x5a: {  	s30 =	simm.s32 $0x3;
	[sflag:s1] =	ssyncpa.u1 $0x1  }
0x5b: {  	s31 =	simm.s32 $0x1;
	[sflag:s30] =	ssyncpa.u1 $0x1  }
0x5c: {  	[sflag:s31] =	ssyncpa.u1 $0x1  }
0x5d: {  	p0 =	sne.s32 s0, $0x0;
	_ =	strace $0x90000047  }
0x5e: {  	s0 =	sadd.s32 @!p0 $0x100000, s2;
	[bflag:$0x2] =	sbarrier.arrive $0xFFFF  }
0x5f: {  	[sflag:s0] =	ssyncadd.tile.s32 @!p0 $0x1;
	_ =	shalt  }
.Lfunc_end2:
_tile_overlayer_lowered:
.L_overlay_start_2:
0x60: {  	(tag) =	ssettag $0x2  }
0x61: {  	s0 =	rddreg [dreg:$0x0];
	s2 =	stileid.u32  }
0x62: {  	s1 =	rddreg [dreg:$0x1];
	p0 =	sne.s32 s2, $0x0  }
0x63: {  	s3 =	rddreg [dreg:$0x2];
	[bflag:$0x3] =	sbarrier.arrive $0xFFFF;
	s2 =	simm.s32 @!p0 $0x1C01  }
0x64: {  	[timem:s3], [sflag:s2] =	dma.local @!p0 [hbm:s0], s1  }
0x65: {  	s0 =	simm.s32 @!p0 $0x1  }
0x66: {  	_ =	swait.ge @!p0 [sflag:s0], s1  }
0x67: {  	s1 =	ssub.s32 @!p0 $0x0, s1;
	[sflag:s0] =	ssyncset.done @!p0 $0x0  }
0x68: {  	[sflag:s0] =	ssyncadd.s32 @!p0 s1  }
0x69: {  	[bflag:$0x3] =	sbarrier.arrive $0xFFFF  }
0x6a: {  	_ =	shalt  }

// kernel: gather_offload_async_start.3
scs
__scs_entry_jumppad:
0x0: {  	(pc) =	sbr.rel $0x88, $3  }
0x1: {  	(tag) =	ssettag $0x0;
	lr =	simm.s32 $0x1  }
0x2: {  	[smem:$0x3F9A] =	sst lr;
	_ =	strace $0xD0000000  }
0x3: {  	_ = 	snop  }
0x4: {  	_ = 	snop  }
0x5: {  	_ = 	snop  }
0x6: {  	_ = 	snop  }
0x7: {  	_ = 	snop  }
__scs_overlays_trampoline_lowered:
0x8: {  	[smem:$0x3FA9] =	sst s0  }
0x9: {  	[smem:$0x3FAA] =	sst s1  }
0xa: {  	[smem:$0x3FAB] =	sst s2  }
0xb: {  	[smem:$0x3FAC] =	sst s3  }
0xc: {  	[smem:$0x3FAD] =	sst s4  }
0xd: {  	[smem:$0x3FAE] =	sst s5  }
0xe: {  	[smem:$0x3FAF] =	sst s6  }
0xf: {  	[smem:$0x3FB0] =	sst s7  }
0x10: {  	[smem:$0x3FB1] =	sst s8  }
0x11: {  	[smem:$0x3FB2] =	sst s9;
	s0 =	simm.s32 @!p0 $0x0  }
0x12: {  	s1 =	sld [smem:$0x3F98];
	s0 =	simm.s32 @p0 $0x1  }
0x13: {  	[smem:$0x3FB3] =	sst s0;
	s0 =	simm.s32 @!p1 $0x0  }
0x14: {  	s2 =	sld [smem:$0x3F97];
	s0 =	simm.s32 @p1 $0x1  }
0x15: {  	[smem:$0x3FB4] =	sst s0;
	s0 =	simm.s32 @!p2 $0x0  }
0x16: {  	s3 =	sld [smem:$0x3FDB];
	s0 =	simm.s32 @p2 $0x1  }
0x17: {  	s4 =	simm.s32 $0x1BF5;
	[smem:$0x3FB6] =	sst s0  }
0x18: {  	s0 =	sld [smem:$0x3F99];
	_ =	swait.ge [sflag:s4], $0x0  }
0x19: {  	s7 =	sld [smem:$0x3F9A]  }
0x1a: {  	s8 =	sadd.s32 $0xFFFFE003, lr  }
0x1b: {  	s9 =	sadd.s32 $0xFFFFFEF7, lr;
	s5 =	simm.s32 $0xFFFFFFFF;
	p2 =	slt.u32 s8, $0xFFFFF086  }
0x1c: {  	p1 =	slt.u32 s9, $0xF7A;
	s5 =	simm.s32 @!p2 $0x0  }
0x1d: {  	s5 =	simm.s32 @p1 $0x1;
	p0 =	seq.s32 s7, s2  }
0x1e: {  	s7 =	smul.u32 @!p0 $0xF7A, s2;
	p2 =	seq.s32 @!p0 s5, $0x0  }
0x1f: {  	s9 =	smul.u32 $0xF7A, s1;
	s8 =	simm.s32 @!p0 $0x1BF5;
	p2 =	por !p2, p0  }
0x20: {  	[sflag:s8] =	ssyncset.s32 @!p0 $0xFFFFF086;
	s6 =	sadd.s32 @!p0 s3, s7;
	s7 =	simm.s32 @!p0 $0x108  }
0x21: {  	s3 =	sadd.s32 s3, s9;
	s6 =	sadd.s32 @!p0 $0x88, s6;
	s7 =	simm.s32 @p2 $0x1082  }
0x22: {  	[simem:s7], [sflag:s8] =	dma.local @!p0 [hbm:s6], $0xF7A  }
0x23: {  	s9 =	sor.u32 $0xD0000000, s2;
	s6 =	simm.s32 $0x108;
	_ =	swait.ge @!p0 [sflag:s8], $0x0  }
0x24: {  	s3 =	sadd.s32 $0x88, s3;
	s6 =	simm.s32 @!p1 $0x1082;
	[sflag:s4] =	ssyncset.s32 $0xFFFFF086  }
0x25: {  	[simem:s6], [sflag:s4] =	dma.local [hbm:s3], $0xF7A  }
0x26: {  	[smem:$0x3F9A] =	sst s1;
	(tag) =	ssettag s2;
	_ =	strace s9  }
0x27: {  	s1 =	sld [smem:$0x3FAA]  }
0x28: {  	s2 =	sld [smem:$0x3FAB]  }
0x29: {  	s4 =	sld [smem:$0x3FAD]  }
0x2a: {  	p0 =	seq.s32 s5, $0x0;
	s5 =	sld [smem:$0x3FAE]  }
0x2b: {  	s6 =	sld [smem:$0x3FAF]  }
0x2c: {  	s7 =	sld [smem:$0x3FB0]  }
0x2d: {  	s3 =	simm.s32 $0x108;
	s8 =	sld [smem:$0x3FB1]  }
0x2e: {  	s3 =	simm.s32 @!p0 $0x1082;
	s9 =	sld [smem:$0x3FB2]  }
0x2f: {  	lr =	sadd.s32 s0, s3;
	s0 =	sld [smem:$0x3FA9]  }
0x30: {  	s3 =	sld [smem:$0x3FAC]  }
0x31: {  	[smem:$0x3FB5] =	sst s10  }
0x32: {  	s10 =	sld [smem:$0x3FB3];
	_ =	sdelay $0x3  }
0x33: {  	p0 =	seq.s32 s10, $0x1;
	s10 =	sld [smem:$0x3FB5];
	_ =	sdelay $0x3  }
0x34: {  	[smem:$0x3FB5] =	sst s10  }
0x35: {  	s10 =	sld [smem:$0x3FB4];
	_ =	sdelay $0x3  }
0x36: {  	p1 =	seq.s32 s10, $0x1;
	s10 =	sld [smem:$0x3FB5];
	_ =	sdelay $0x3  }
0x37: {  	[smem:$0x3FB5] =	sst s10  }
0x38: {  	s10 =	sld [smem:$0x3FB6]  }
0x39: {  	_ = 	snop;
	(pc) =	sbr.ind lr, $3  }
0x3a: {  	_ = 	snop  }
0x3b: {  	_ = 	snop  }
0x3c: {  	p2 =	seq.s32 s10, $0x1;
	s10 =	sld [smem:$0x3FB5]  }
0x3d: {  	_ =	shalt  }
0x3e: {  	_ =	shalt  }
0x3f: {  	_ =	shalt  }
0x40: {  	_ =	shalt  }
0x41: {  	_ =	shalt  }
0x42: {  	_ =	shalt  }
0x43: {  	_ =	shalt  }
0x44: {  	_ =	shalt  }
0x45: {  	_ =	shalt  }
0x46: {  	_ =	shalt  }
0x47: {  	_ =	shalt  }
0x48: {  	_ =	shalt  }
0x49: {  	_ =	shalt  }
0x4a: {  	_ =	shalt  }
0x4b: {  	_ =	shalt  }
0x4c: {  	_ =	shalt  }
0x4d: {  	_ =	shalt  }
0x4e: {  	_ =	shalt  }
0x4f: {  	_ =	shalt  }
0x50: {  	_ =	shalt  }
0x51: {  	_ =	shalt  }
0x52: {  	_ =	shalt  }
0x53: {  	_ =	shalt  }
0x54: {  	_ =	shalt  }
0x55: {  	_ =	shalt  }
0x56: {  	_ =	shalt  }
0x57: {  	_ =	shalt  }
0x58: {  	_ =	shalt  }
0x59: {  	_ =	shalt  }
0x5a: {  	_ =	shalt  }
0x5b: {  	_ =	shalt  }
0x5c: {  	_ =	shalt  }
0x5d: {  	_ =	shalt  }
0x5e: {  	_ =	shalt  }
0x5f: {  	_ =	shalt  }
0x60: {  	_ =	shalt  }
0x61: {  	_ =	shalt  }
0x62: {  	_ =	shalt  }
0x63: {  	_ =	shalt  }
0x64: {  	_ =	shalt  }
0x65: {  	_ =	shalt  }
0x66: {  	_ =	shalt  }
0x67: {  	_ =	shalt  }
0x68: {  	_ =	shalt  }
0x69: {  	_ =	shalt  }
0x6a: {  	_ =	shalt  }
0x6b: {  	_ =	shalt  }
0x6c: {  	_ =	shalt  }
0x6d: {  	_ =	shalt  }
0x6e: {  	_ =	shalt  }
0x6f: {  	_ =	shalt  }
0x70: {  	_ =	shalt  }
0x71: {  	_ =	shalt  }
0x72: {  	_ =	shalt  }
0x73: {  	_ =	shalt  }
0x74: {  	_ =	shalt  }
0x75: {  	_ =	shalt  }
0x76: {  	_ =	shalt  }
0x77: {  	_ =	shalt  }
0x78: {  	_ =	shalt  }
0x79: {  	_ =	shalt  }
0x7a: {  	_ =	shalt  }
0x7b: {  	_ =	shalt  }
0x7c: {  	_ =	shalt  }
0x7d: {  	_ =	shalt  }
0x7e: {  	_ =	shalt  }
0x7f: {  	_ =	shalt  }
0x80: {  	_ =	shalt  }
0x81: {  	_ =	shalt  }
0x82: {  	_ =	shalt  }
0x83: {  	_ =	shalt  }
0x84: {  	_ =	shalt  }
0x85: {  	_ =	shalt  }
0x86: {  	_ =	shalt  }
0x87: {  	_ =	shalt  }
.Lfunc_end0:
.L_simem_size_0:
called_computation.3_lowered:
.L_overlay_start_0:
0x88: {  	s0 =	sld [smem:$0x3FD9]  }
0x89: {  	s1 =	sld [smem:$0x3FFE];
	_ =	sdelay $0x3  }
0x8a: {  	s0 =	sadd.s32 s1, s0  }
0x8b: {  	[smem:$0x3FC1] =	sst s0  }
0x8c: {  	_ = 	snop  }
0x8d: {  	s0 =	sld [smem:$0x3FD0];
	_ =	sdelay $0x2  }
0x8e: {  	s13 =	simm.s32 $0xD;
	s2 =	simm.s32 $0x10  }
0x8f: {  	[smem:s2], [sflag:s13] =	dma.local [hbm:s0], $0x1  }
0x90: {  	_ =	swait.eq [sflag:s13], $0x1  }
0x91: {  	[sflag:s13] =	ssyncset.done $0x0  }
0x92: {  	[sflag:s13] =	ssyncadd.s32 $0xFFFFFFFF  }
0x93: {  	s14 =	sld [smem:$0x13];
	(tm) =	ssettm $0x1  }
0x94: {  	s15 =	sld [smem:$0x3FFB];
	_ =	sdelay $0x3  }
0x95: {  	_ =	strace s15  }
0x96: {  	s1 =	sld [smem:$0x3FFC];
	_ =	sdelay $0x3  }
0x97: {  	_ =	strace s1  }
0x98: {  	s1 =	sld [smem:$0x3FFD];
	_ =	sdelay $0x3  }
0x99: {  	_ =	strace s1  }
0x9a: {  	_ =	strace $0x8FFFFFFF  }
0x9b: {  	s16 =	sld [smem:$0x3FDB];
	_ =	sdelay $0x1  }
0x9c: {  	s17 =	simm.s32 $_scs_section_size  }
0x9d: {  	s3 =	simm.s32 $_size__tile_overlayer_lowered;
	s4 =	simm.s32 $_tile_overlayer_lowered  }
0x9e: {  	s20 =	simm.s32 $0x1BFF;
	s19 =	sshll.u32 s4, $0x1;
	s1 =	sadd.s32 s17, s16  }
0x9f: {  	s5 =	simm.s32 $0x0;
	s18 =	sshll.u32 s3, $0x1;
	s3 =	sadd.s32 s19, s1  }
0xa0: {  	[timem:s5], [sflag:s20] =	dma.local [hbm:s3], s18  }
0xa1: {  	_ =	swait.ge [sflag:s20], s18  }
0xa2: {  	s2 =	ssub.s32 $0x0, s18;
	[sflag:s20] =	ssyncset.done $0x0  }
0xa3: {  	[sflag:s20] =	ssyncadd.s32 s2;
	_ =	sdelay $0x1  }
0xa4: {  	s21 =	simm.s32 $0x1B8B  }
0xa5: {  	_ =	swait.ge [sflag:s21], $0x1  }
0xa6: {  	[sflag:s21] =	ssyncset.done $0x0  }
0xa7: {  	s23 =	simm.s32 $0x1B8E;
	s22 =	sld [smem:$0x3FFE];
	[sflag:s21] =	ssyncadd.s32 $0xFFFFFFFF  }
0xa8: {  	s24 =	simm.s32 $execute0_lowered;
	[smem:$0x3FD2] =	sst s23  }
0xa9: {  	s3 =	sshll.u32 s24, $0x1;
	_ =	strace $0x80000049;
	[dreg:$0x1] =	wrdreg $0xFFFFFFFF  }
0xaa: {  	s25 =	simm.s32 $_size_execute0_lowered;
	s1 =	sadd.s32 s1, s3;
	[dreg:$0x0] =	wrdreg $0x0  }
0xab: {  	s3 =	sshll.u32 s25, $0x1;
	[dreg:$0x2] =	wrdreg s1  }
0xac: {  	[dreg:$0x3] =	wrdreg s3  }
0xad: {  	[dreg:$0x4] =	wrdreg $0xC0  }
0xae: {  	_ =	task [dreg:s5], $0x5FFFF  }
0xaf: {  	[dreg:$0x1] =	wrdreg $0xFFFFFFFF  }
0xb0: {  	[dreg:$0x0] =	wrdreg $0x60  }
0xb1: {  	[dreg:$0x2] =	wrdreg s22  }
0xb2: {  	[dreg:$0x3] =	wrdreg s14  }
0xb3: {  	[dreg:$0x4] =	wrdreg $0xC  }
0xb4: {  	_ =	task.clear_ibuf [dreg:s5], $0x5FFFF;
	_ =	strace $0x90000049  }
0xb5: {  	s26 =	simm.s32 $0xC;
	_ =	strace $0x8000004B  }
0xb6: {  	_ =	swait.ge [sflag:s26], $0x1  }
0xb7: {  	[sflag:s26] =	ssyncadd.s32 $0xFFFFFFFF  }
0xb8: {  	_ =	strace $0x9000004B  }
0xb9: {  	_ =	sfence  }
0xba: {  	s28 =	sld [smem:$0x0];
	_ =	sdelay $0x1  }
0xbb: {  	s29 =	srdreg.scid  }
0xbc: {  	s30 =	sshll.u32 s29, $0xD;
	s31 =	sshrl.u32 s29, $0x2  }
0xbd: {  	s2 =	sand.u32 $0x4000, s30;
	s1 =	sand.u32 $0x1, s29;
	s0 =	sadd.s32 s31, s28  }
0xbe: {  	s1 =	sor.u32 s2, s1;
	s0 =	sshll.u32 s0, $0x11  }
0xbf: {  	s0 =	sor.u32 s0, s1  }
0xc0: {  	s0 =	sadd.s32 $0x8F2B, s0  }
0xc1: {  	[sflag:s0] =	ssyncadd.remote.s32 $0x1  }
0xc2: {  	_ =	sfence.sel $0xFFFF  }
0xc3: {  	[dreg:$0x0] =	wrdreg $0xFFFFFFFF;
	(pc) =	sbr.abs _section_cstart, $3  }
0xc4: {  	[dreg:$0x1] =	wrdreg $0xFFFFFFFF  }
0xc5: {  	_ =	task.clear_ibuf [dreg:s5], $0x2FFFF;
	_ =	strace $0x9FFFFFFF  }
0xc6: {  	(tm) =	ssettm $0x7FFFFFFF  }
0xc7: {  	_ =	shalt  }
tec
execute0_lowered:
.L_overlay_start_1:
0x0: {  	(tag) =	ssettag $0x1  }
0x1: {  	s0 =	stileid.u32  }
0x2: {  	s1 =	smin.u32 s0, $0x9  }
0x3: {  	s1 =	sadd.s32 s0, s1  }
0x4: {  	s2 =	simm.s32 $0x320;
	p0 =	slt.u32 s0, $0x9;
	s1 =	smul.u32 $0x190, s1  }
0x5: {  	s2 =	simm.s32 @!p0 $0x190  }
0x6: {  	s2 =	sadd.s32 s2, s1  }
0x7: {  	s3 =	smin.u32 s2, $0x2710  }
0x8: {  	s7 =	ssub.s32 s3, s1  }
0x9: {  	p0 =	sgt.s32 s7, $0x0  }
0xa: {  	s7 =	simm.s32 @!p0 $0x0  }
0xb: {  	s31 =	sand.u32 $0xFFF0, s7  }
0xc: {  	s2 =	sshrl.u32 s31, $0x4  }
0xd: {  	s9 =	rddreg [dreg:$0x0];
	s2 =	smul.u32 $0xA3E, s2  }
0xe: {  	s4 =	rddreg [dreg:$0x1];
	s6 =	simm.s32 $0x1  }
0xf: {  	s11 =	simm.s32 $0x3;
	s13 =	simm.s32 $0x0;
	s8 =	sshrl.u32 s2, $0x10  }
0x10: {  	s12 =	simm.s32 $0x0;
	s5 =	sadd.s32 $0x50BA00, s9;
	s10 =	smul.u32 $0x190, s8  }
.Ltmp0:
0x11: {  	s9 =	sadd.s32 $0x2EC00, s9;
	s2 =	rddreg [dreg:$0x2];
	(pc) =	sbr.rel .LBB2_1-.Ltmp0, $4  }
0x12: {  	_ =	strace $0x8000004A;
	p0 =	sne.s32 s7, s10;
	s10 =	simm.s32 $0x1  }
0x13: {  	[sflag:s6] =	ssyncpa.u1 $0x0;
	s7 =	simm.s32 $0x2;
	s10 =	simm.s32 @!p0 $0x0  }
0x14: {  	[sflag:s7] =	ssyncpa.u1 $0x0;
	p0 =	por $0x0, $0x0;
	s8 =	sadd.s32 s8, s10  }
0x15: {  	vm0 =	vmmov $0xff;
	vm1 =	vcmask $0x3F20;
	[sflag:s11] =	ssyncpa.u1 $0x0;
	s11 =	smov.u32 s1;
	s10 =	sadd.s32 $0x1, s8  }
.LBB2_6:
0x16: {  	[hbm:s17] =	stream.linear.scatter [tilespmem:s14], [sflag:$0x3], $0x400, $0x38;
	[tilespmem:$0x19320] =	vst v63  }
.LBB2_7:
0x17: {  	s13 =	sadd.s32 $0x190, s11  }
0x18: {  	s15 =	smov.u32 s1;
	p2 =	slt.s32 s13, s3  }
0x19: {  	s15 =	smov.u32 @p2 s13;
	p2 =	sne.s32 s12, s10  }
.Ltmp1:
0x1a: {  	p1 =	slt.u32 s12, $0x2;
	(pc) =	sbr.rel @!p2 .LBB2_8-.Ltmp1, $4  }
0x1b: {  	s14 =	simm.s32 @!p1 $0x3  }
0x1c: {  	s16 =	sadd.s32 $0x1, s12;
	_ =	swait.ge @!p1 [sflag:s14], $0xC800  }
0x1d: {  	p0 =	por !p0, !p0;
	s13 =	smov.u32 s11;
	[sflag:s14] =	ssyncset.done @!p1 $0x0  }
0x1e: {  	s12 =	smov.u32 s16;
	s11 =	smov.u32 s15;
	[sflag:s14] =	ssyncadd.s32 @!p1 $0xFFFF3800  }
.LBB2_1:
0x1f: {  	p1 =	sge.u32 s12, s8  }
0x20: {  	s14 =	sxor.u32 @!p1 $0xFFFFFFFF, s12  }
0x21: {  	s14 =	sand.u32 @!p1 $0x1, s14  }
0x22: {  	s14 =	smul.u32 @!p1 $0x640, s14  }
0x23: {  	s31 =	sadd.s32 $0xFFFFFFFF, s12;
	s15 =	sshrl.u32 @!p1 s11, $0x3  }
0x24: {  	s16 =	sand.u32 @!p1 $0x7, s11;
	s15 =	sadd.s32 @!p1 s4, s15;
	s14 =	sshrl.u32 @!p1 s14, $0x2  }
0x25: {  	[tilespmem:s14], [sflag:$0x2] =	stream.linear.gather @!p1 [hbm4b:s15+s16], $0x190, $0x38;
	[tilespmem:$0x19320] =	vst v63  }
0x26: {  	p1 =	sge.u32 s31, s8  }
.Ltmp2:
0x27: {  	_ = 	snop;
	(pc) =	sbr.rel @p1 .LBB2_7-.Ltmp2, $1  }
0x28: {  	_ =	sdelay $0x3  }
0x29: {  	s14 =	simm.s32 $0x1  }
0x2a: {  	s14 =	simm.s32 @!p0 $0x0  }
0x2b: {  	s15 =	smul.u32 $0x640, s14  }
0x2c: {  	_ =	swait.ge [sflag:s7], $0x190  }
0x2d: {  	[sflag:s7] =	ssyncset.done $0x0;
	s16 =	sshrl.u32 s15, $0x2  }
0x2e: {  	[sflag:s7] =	ssyncadd.s32 $0xFFFFFE70;
	s15 =	sadd.s32 $0x0, s16  }
0x2f: {  	v0 =	vld.msk [tilespmem:s15+$0x0 ss:$0x1], $0xffff;
	_ =	sdelay $0x4  }
0x30: {  	vm2 =	vgt.s32 v0, $0x0  }
0x31: {  	v0 =	vnsel vm2, $0x0, v0  }
0x32: {  	v0 =	vmin.u32 v0, $0x30D3F  }
0x33: {  	v0 =	vshll.u32 v0, $0x4  }
0x34: {  	s14 =	smul.u32 $0x32000, s14;
	_ =	sdelay $0x1  }
0x35: {  	s14 =	sshrl.u32 s14, $0x2  }
0x36: {  	s14 =	sor.u32 $0x320, s14  }
0x37: {  	[tilespmem:s14], [sflag:$0x1] =	stream.indirect_vreg.gather [hbm:s5], $0x80, v0, vm0, $0x38;
	[tilespmem:$0x19320] =	vst v63  }
0x38: {  	s17 =	sadd.s32 $0x10, s16;
	s15 =	sadd.s32 $0x400, s14  }
0x39: {  	[tilespmem:s15], [sflag:$0x1] =	stream.indirect_vreg.gather [hbm:s5], $0x80, v0, vm1, $0x38;
	[tilespmem:$0x19320] =	vst v63  }
0x3a: {  	s18 =	simm.s32 $0x80;
	v0 =	vld.msk [tilespmem:s17+$0x0 ss:$0x1], $0xffff;
	s17 =	smov.u32 s14  }
.LBB2_3:
0x3b: {  	p1 =	sne.s32 s18, $0x600;
	_ =	sdelay $0x4  }
0x3c: {  	vm2 =	vgt.s32 v0, $0x0  }
0x3d: {  	v0 =	vnsel vm2, $0x0, v0  }
0x3e: {  	v0 =	vmin.u32 v0, $0x30D3F  }
0x3f: {  	v0 =	vshll.u32 v0, $0x4;
	_ =	sdelay $0x3  }
.Ltmp3:
0x40: {  	s19 =	sshra.s32 s18, $0x2;
	s17 =	sadd.s32 $0x800, s17;
	(pc) =	sbr.rel @p1 .LBB2_3-.Ltmp3, $4  }
0x41: {  	[tilespmem:s17], [sflag:$0x1] =	stream.indirect_vreg.gather [hbm:s5], $0x80, v0, vm0, $0x38;
	[tilespmem:$0x19320] =	vst v63  }
0x42: {  	s19 =	sadd.s32 s19, s16;
	s20 =	sadd.s32 $0x400, s17  }
0x43: {  	[tilespmem:s20], [sflag:$0x1] =	stream.indirect_vreg.gather [hbm:s5], $0x80, v0, vm1, $0x38;
	[tilespmem:$0x19320] =	vst v63  }
0x44: {  	s18 =	sadd.s32 $0x40, s18;
	v0 =	vld.msk [tilespmem:s19+$0x0 ss:$0x1], $0xffff  }
0x45: {  	_ =	sdelay $0x3  }
0x46: {  	vm2 =	vgt.s32 v0, $0x0  }
0x47: {  	v0 =	vnsel vm2, $0x0, v0  }
0x48: {  	v0 =	vmin.u32 v0, $0x30D3F  }
0x49: {  	v0 =	vshll.u32 v0, $0x4;
	_ =	sdelay $0x3  }
0x4a: {  	s16 =	sadd.s32 $0x800, s17  }
0x4b: {  	[tilespmem:s16], [sflag:$0x1] =	stream.indirect_vreg.gather [hbm:s5], $0x80, v0, vm0, $0x38;
	[tilespmem:$0x19320] =	vst v63  }
0x4c: {  	s16 =	sadd.s32 $0x400, s16  }
0x4d: {  	[tilespmem:s16], [sflag:$0x1] =	stream.indirect_vreg.gather [hbm:s5], $0x80, v0, vm1, $0x38;
	[tilespmem:$0x19320] =	vst v63  }
0x4e: {  	s13 =	sshll.u32 s13, $0x4;
	_ =	swait.ge [sflag:s6], $0xC800  }
0x4f: {  	s13 =	sadd.s32 s13, s9;
	[sflag:s6] =	ssyncset.done $0x0  }
0x50: {  	s17 =	sadd.s32 $0x0, s13;
	s16 =	simm.s32 $0x80;
	[sflag:s6] =	ssyncadd.s32 $0xFFFF3800  }
.LBB2_5:
0x51: {  	[hbm:s17] =	stream.linear.scatter [tilespmem:s14], [sflag:$0x3], $0x400, $0x38;
	[tilespmem:$0x19320] =	vst v63  }
0x52: {  	s17 =	smov.u32 s16;
	s14 =	smov.u32 s15;
	p1 =	sne.s32 s16, $0x1880  }
.Ltmp4:
0x53: {  	s16 =	sadd.s32 $0x80, s16;
	(pc) =	sbr.rel @p1 .LBB2_5-.Ltmp4, $2  }
0x54: {  	_ =	sdelay $0x2  }
0x55: {  	s15 =	sadd.s32 $0x400, s15;
	s17 =	sadd.s32 s17, s13  }
.Ltmp5:
0x56: {  	_ = 	snop;
	(pc) =	sbr.rel .LBB2_6-.Ltmp5, $1  }
0x57: {  	_ =	sdelay $0x3  }
.LBB2_8:
0x58: {  	_ =	sfence.sel $0x180000  }
0x59: {  	s1 =	simm.s32 $0x2;
	[bflag:$0x0] =	sbarrier.arrive $0xFFFF  }
0x5a: {  	s30 =	simm.s32 $0x3;
	[sflag:s1] =	ssyncpa.u1 $0x1  }
0x5b: {  	s31 =	simm.s32 $0x1;
	[sflag:s30] =	ssyncpa.u1 $0x1  }
0x5c: {  	[sflag:s31] =	ssyncpa.u1 $0x1  }
0x5d: {  	p0 =	sne.s32 s0, $0x0;
	_ =	strace $0x9000004A  }
0x5e: {  	s0 =	sadd.s32 @!p0 $0x100000, s2;
	[bflag:$0x2] =	sbarrier.arrive $0xFFFF  }
0x5f: {  	[sflag:s0] =	ssyncadd.tile.s32 @!p0 $0x1;
	_ =	shalt  }
.Lfunc_end2:
_tile_overlayer_lowered:
.L_overlay_start_2:
0x60: {  	(tag) =	ssettag $0x2  }
0x61: {  	s0 =	rddreg [dreg:$0x0];
	s2 =	stileid.u32  }
0x62: {  	s1 =	rddreg [dreg:$0x1];
	p0 =	sne.s32 s2, $0x0  }
0x63: {  	s3 =	rddreg [dreg:$0x2];
	[bflag:$0x3] =	sbarrier.arrive $0xFFFF;
	s2 =	simm.s32 @!p0 $0x1C01  }
0x64: {  	[timem:s3], [sflag:s2] =	dma.local @!p0 [hbm:s0], s1  }
0x65: {  	s0 =	simm.s32 @!p0 $0x1  }
0x66: {  	_ =	swait.ge @!p0 [sflag:s0], s1  }
0x67: {  	s1 =	ssub.s32 @!p0 $0x0, s1;
	[sflag:s0] =	ssyncset.done @!p0 $0x0  }
0x68: {  	[sflag:s0] =	ssyncadd.s32 @!p0 s1  }
0x69: {  	[bflag:$0x3] =	sbarrier.arrive $0xFFFF  }
0x6a: {  	_ =	shalt  }

// kernel: gather_offload_async_start.4
scs
__scs_entry_jumppad:
0x0: {  	(pc) =	sbr.rel $0x88, $3  }
0x1: {  	(tag) =	ssettag $0x0;
	lr =	simm.s32 $0x1  }
0x2: {  	[smem:$0x3F9A] =	sst lr;
	_ =	strace $0xD0000000  }
0x3: {  	_ = 	snop  }
0x4: {  	_ = 	snop  }
0x5: {  	_ = 	snop  }
0x6: {  	_ = 	snop  }
0x7: {  	_ = 	snop  }
__scs_overlays_trampoline_lowered:
0x8: {  	[smem:$0x3FA9] =	sst s0  }
0x9: {  	[smem:$0x3FAA] =	sst s1  }
0xa: {  	[smem:$0x3FAB] =	sst s2  }
0xb: {  	[smem:$0x3FAC] =	sst s3  }
0xc: {  	[smem:$0x3FAD] =	sst s4  }
0xd: {  	[smem:$0x3FAE] =	sst s5  }
0xe: {  	[smem:$0x3FAF] =	sst s6  }
0xf: {  	[smem:$0x3FB0] =	sst s7  }
0x10: {  	[smem:$0x3FB1] =	sst s8  }
0x11: {  	[smem:$0x3FB2] =	sst s9;
	s0 =	simm.s32 @!p0 $0x0  }
0x12: {  	s1 =	sld [smem:$0x3F98];
	s0 =	simm.s32 @p0 $0x1  }
0x13: {  	[smem:$0x3FB3] =	sst s0;
	s0 =	simm.s32 @!p1 $0x0  }
0x14: {  	s2 =	sld [smem:$0x3F97];
	s0 =	simm.s32 @p1 $0x1  }
0x15: {  	[smem:$0x3FB4] =	sst s0;
	s0 =	simm.s32 @!p2 $0x0  }
0x16: {  	s3 =	sld [smem:$0x3FDB];
	s0 =	simm.s32 @p2 $0x1  }
0x17: {  	s4 =	simm.s32 $0x1BF5;
	[smem:$0x3FB6] =	sst s0  }
0x18: {  	s0 =	sld [smem:$0x3F99];
	_ =	swait.ge [sflag:s4], $0x0  }
0x19: {  	s7 =	sld [smem:$0x3F9A]  }
0x1a: {  	s8 =	sadd.s32 $0xFFFFE003, lr  }
0x1b: {  	s9 =	sadd.s32 $0xFFFFFEF7, lr;
	s5 =	simm.s32 $0xFFFFFFFF;
	p2 =	slt.u32 s8, $0xFFFFF086  }
0x1c: {  	p1 =	slt.u32 s9, $0xF7A;
	s5 =	simm.s32 @!p2 $0x0  }
0x1d: {  	s5 =	simm.s32 @p1 $0x1;
	p0 =	seq.s32 s7, s2  }
0x1e: {  	s7 =	smul.u32 @!p0 $0xF7A, s2;
	p2 =	seq.s32 @!p0 s5, $0x0  }
0x1f: {  	s9 =	smul.u32 $0xF7A, s1;
	s8 =	simm.s32 @!p0 $0x1BF5;
	p2 =	por !p2, p0  }
0x20: {  	[sflag:s8] =	ssyncset.s32 @!p0 $0xFFFFF086;
	s6 =	sadd.s32 @!p0 s3, s7;
	s7 =	simm.s32 @!p0 $0x108  }
0x21: {  	s3 =	sadd.s32 s3, s9;
	s6 =	sadd.s32 @!p0 $0x88, s6;
	s7 =	simm.s32 @p2 $0x1082  }
0x22: {  	[simem:s7], [sflag:s8] =	dma.local @!p0 [hbm:s6], $0xF7A  }
0x23: {  	s9 =	sor.u32 $0xD0000000, s2;
	s6 =	simm.s32 $0x108;
	_ =	swait.ge @!p0 [sflag:s8], $0x0  }
0x24: {  	s3 =	sadd.s32 $0x88, s3;
	s6 =	simm.s32 @!p1 $0x1082;
	[sflag:s4] =	ssyncset.s32 $0xFFFFF086  }
0x25: {  	[simem:s6], [sflag:s4] =	dma.local [hbm:s3], $0xF7A  }
0x26: {  	[smem:$0x3F9A] =	sst s1;
	(tag) =	ssettag s2;
	_ =	strace s9  }
0x27: {  	s1 =	sld [smem:$0x3FAA]  }
0x28: {  	s2 =	sld [smem:$0x3FAB]  }
0x29: {  	s4 =	sld [smem:$0x3FAD]  }
0x2a: {  	p0 =	seq.s32 s5, $0x0;
	s5 =	sld [smem:$0x3FAE]  }
0x2b: {  	s6 =	sld [smem:$0x3FAF]  }
0x2c: {  	s7 =	sld [smem:$0x3FB0]  }
0x2d: {  	s3 =	simm.s32 $0x108;
	s8 =	sld [smem:$0x3FB1]  }
0x2e: {  	s3 =	simm.s32 @!p0 $0x1082;
	s9 =	sld [smem:$0x3FB2]  }
0x2f: {  	lr =	sadd.s32 s0, s3;
	s0 =	sld [smem:$0x3FA9]  }
0x30: {  	s3 =	sld [smem:$0x3FAC]  }
0x31: {  	[smem:$0x3FB5] =	sst s10  }
0x32: {  	s10 =	sld [smem:$0x3FB3];
	_ =	sdelay $0x3  }
0x33: {  	p0 =	seq.s32 s10, $0x1;
	s10 =	sld [smem:$0x3FB5];
	_ =	sdelay $0x3  }
0x34: {  	[smem:$0x3FB5] =	sst s10  }
0x35: {  	s10 =	sld [smem:$0x3FB4];
	_ =	sdelay $0x3  }
0x36: {  	p1 =	seq.s32 s10, $0x1;
	s10 =	sld [smem:$0x3FB5];
	_ =	sdelay $0x3  }
0x37: {  	[smem:$0x3FB5] =	sst s10  }
0x38: {  	s10 =	sld [smem:$0x3FB6]  }
0x39: {  	_ = 	snop;
	(pc) =	sbr.ind lr, $3  }
0x3a: {  	_ = 	snop  }
0x3b: {  	_ = 	snop  }
0x3c: {  	p2 =	seq.s32 s10, $0x1;
	s10 =	sld [smem:$0x3FB5]  }
0x3d: {  	_ =	shalt  }
0x3e: {  	_ =	shalt  }
0x3f: {  	_ =	shalt  }
0x40: {  	_ =	shalt  }
0x41: {  	_ =	shalt  }
0x42: {  	_ =	shalt  }
0x43: {  	_ =	shalt  }
0x44: {  	_ =	shalt  }
0x45: {  	_ =	shalt  }
0x46: {  	_ =	shalt  }
0x47: {  	_ =	shalt  }
0x48: {  	_ =	shalt  }
0x49: {  	_ =	shalt  }
0x4a: {  	_ =	shalt  }
0x4b: {  	_ =	shalt  }
0x4c: {  	_ =	shalt  }
0x4d: {  	_ =	shalt  }
0x4e: {  	_ =	shalt  }
0x4f: {  	_ =	shalt  }
0x50: {  	_ =	shalt  }
0x51: {  	_ =	shalt  }
0x52: {  	_ =	shalt  }
0x53: {  	_ =	shalt  }
0x54: {  	_ =	shalt  }
0x55: {  	_ =	shalt  }
0x56: {  	_ =	shalt  }
0x57: {  	_ =	shalt  }
0x58: {  	_ =	shalt  }
0x59: {  	_ =	shalt  }
0x5a: {  	_ =	shalt  }
0x5b: {  	_ =	shalt  }
0x5c: {  	_ =	shalt  }
0x5d: {  	_ =	shalt  }
0x5e: {  	_ =	shalt  }
0x5f: {  	_ =	shalt  }
0x60: {  	_ =	shalt  }
0x61: {  	_ =	shalt  }
0x62: {  	_ =	shalt  }
0x63: {  	_ =	shalt  }
0x64: {  	_ =	shalt  }
0x65: {  	_ =	shalt  }
0x66: {  	_ =	shalt  }
0x67: {  	_ =	shalt  }
0x68: {  	_ =	shalt  }
0x69: {  	_ =	shalt  }
0x6a: {  	_ =	shalt  }
0x6b: {  	_ =	shalt  }
0x6c: {  	_ =	shalt  }
0x6d: {  	_ =	shalt  }
0x6e: {  	_ =	shalt  }
0x6f: {  	_ =	shalt  }
0x70: {  	_ =	shalt  }
0x71: {  	_ =	shalt  }
0x72: {  	_ =	shalt  }
0x73: {  	_ =	shalt  }
0x74: {  	_ =	shalt  }
0x75: {  	_ =	shalt  }
0x76: {  	_ =	shalt  }
0x77: {  	_ =	shalt  }
0x78: {  	_ =	shalt  }
0x79: {  	_ =	shalt  }
0x7a: {  	_ =	shalt  }
0x7b: {  	_ =	shalt  }
0x7c: {  	_ =	shalt  }
0x7d: {  	_ =	shalt  }
0x7e: {  	_ =	shalt  }
0x7f: {  	_ =	shalt  }
0x80: {  	_ =	shalt  }
0x81: {  	_ =	shalt  }
0x82: {  	_ =	shalt  }
0x83: {  	_ =	shalt  }
0x84: {  	_ =	shalt  }
0x85: {  	_ =	shalt  }
0x86: {  	_ =	shalt  }
0x87: {  	_ =	shalt  }
.Lfunc_end0:
.L_simem_size_0:
called_computation.4_lowered:
.L_overlay_start_0:
0x88: {  	s0 =	sld [smem:$0x3FD9]  }
0x89: {  	s1 =	sld [smem:$0x3FFE];
	_ =	sdelay $0x3  }
0x8a: {  	s0 =	sadd.s32 s1, s0  }
0x8b: {  	[smem:$0x3FC1] =	sst s0  }
0x8c: {  	_ = 	snop  }
0x8d: {  	s0 =	sld [smem:$0x3FD0];
	_ =	sdelay $0x2  }
0x8e: {  	s13 =	simm.s32 $0xD;
	s2 =	simm.s32 $0x10  }
0x8f: {  	[smem:s2], [sflag:s13] =	dma.local [hbm:s0], $0x1  }
0x90: {  	_ =	swait.eq [sflag:s13], $0x1  }
0x91: {  	[sflag:s13] =	ssyncset.done $0x0  }
0x92: {  	[sflag:s13] =	ssyncadd.s32 $0xFFFFFFFF  }
0x93: {  	s14 =	sld [smem:$0x12];
	(tm) =	ssettm $0x1  }
0x94: {  	s15 =	sld [smem:$0x3FFB];
	_ =	sdelay $0x3  }
0x95: {  	_ =	strace s15  }
0x96: {  	s1 =	sld [smem:$0x3FFC];
	_ =	sdelay $0x3  }
0x97: {  	_ =	strace s1  }
0x98: {  	s1 =	sld [smem:$0x3FFD];
	_ =	sdelay $0x3  }
0x99: {  	_ =	strace s1  }
0x9a: {  	_ =	strace $0x8FFFFFFF  }
0x9b: {  	s16 =	sld [smem:$0x3FDB];
	_ =	sdelay $0x1  }
0x9c: {  	s17 =	simm.s32 $_scs_section_size  }
0x9d: {  	s3 =	simm.s32 $_size__tile_overlayer_lowered;
	s4 =	simm.s32 $_tile_overlayer_lowered  }
0x9e: {  	s20 =	simm.s32 $0x1BFF;
	s19 =	sshll.u32 s4, $0x1;
	s1 =	sadd.s32 s17, s16  }
0x9f: {  	s5 =	simm.s32 $0x0;
	s18 =	sshll.u32 s3, $0x1;
	s3 =	sadd.s32 s19, s1  }
0xa0: {  	[timem:s5], [sflag:s20] =	dma.local [hbm:s3], s18  }
0xa1: {  	_ =	swait.ge [sflag:s20], s18  }
0xa2: {  	s2 =	ssub.s32 $0x0, s18;
	[sflag:s20] =	ssyncset.done $0x0  }
0xa3: {  	[sflag:s20] =	ssyncadd.s32 s2;
	_ =	sdelay $0x1  }
0xa4: {  	s21 =	simm.s32 $0x1B8B  }
0xa5: {  	_ =	swait.ge [sflag:s21], $0x1  }
0xa6: {  	[sflag:s21] =	ssyncset.done $0x0  }
0xa7: {  	s23 =	simm.s32 $0x1B8E;
	s22 =	sld [smem:$0x3FFE];
	[sflag:s21] =	ssyncadd.s32 $0xFFFFFFFF  }
0xa8: {  	s24 =	simm.s32 $execute0_lowered;
	[smem:$0x3FD2] =	sst s23  }
0xa9: {  	s3 =	sshll.u32 s24, $0x1;
	_ =	strace $0x8000004F;
	[dreg:$0x1] =	wrdreg $0xFFFFFFFF  }
0xaa: {  	s25 =	simm.s32 $_size_execute0_lowered;
	s1 =	sadd.s32 s1, s3;
	[dreg:$0x0] =	wrdreg $0x0  }
0xab: {  	s3 =	sshll.u32 s25, $0x1;
	[dreg:$0x2] =	wrdreg s1  }
0xac: {  	[dreg:$0x3] =	wrdreg s3  }
0xad: {  	[dreg:$0x4] =	wrdreg $0xC0  }
0xae: {  	_ =	task [dreg:s5], $0x5FFFF  }
0xaf: {  	[dreg:$0x1] =	wrdreg $0xFFFFFFFF  }
0xb0: {  	[dreg:$0x0] =	wrdreg $0x60  }
0xb1: {  	[dreg:$0x2] =	wrdreg s22  }
0xb2: {  	[dreg:$0x3] =	wrdreg s14  }
0xb3: {  	[dreg:$0x4] =	wrdreg $0x9  }
0xb4: {  	_ =	task.clear_ibuf [dreg:s5], $0x5FFFF;
	_ =	strace $0x9000004F  }
0xb5: {  	s26 =	simm.s32 $0x9;
	_ =	strace $0x80000051  }
0xb6: {  	_ =	swait.ge [sflag:s26], $0x1  }
0xb7: {  	[sflag:s26] =	ssyncadd.s32 $0xFFFFFFFF  }
0xb8: {  	_ =	strace $0x90000051  }
0xb9: {  	_ =	sfence  }
0xba: {  	s28 =	sld [smem:$0x0];
	_ =	sdelay $0x1  }
0xbb: {  	s29 =	srdreg.scid  }
0xbc: {  	s30 =	sshll.u32 s29, $0xD;
	s31 =	sshrl.u32 s29, $0x2  }
0xbd: {  	s2 =	sand.u32 $0x4000, s30;
	s1 =	sand.u32 $0x1, s29;
	s0 =	sadd.s32 s31, s28  }
0xbe: {  	s1 =	sor.u32 s2, s1;
	s0 =	sshll.u32 s0, $0x11  }
0xbf: {  	s0 =	sor.u32 s0, s1  }
0xc0: {  	s0 =	sadd.s32 $0x8F2B, s0  }
0xc1: {  	[sflag:s0] =	ssyncadd.remote.s32 $0x1  }
0xc2: {  	_ =	sfence.sel $0xFFFF  }
0xc3: {  	[dreg:$0x0] =	wrdreg $0xFFFFFFFF;
	(pc) =	sbr.abs _section_cstart, $3  }
0xc4: {  	[dreg:$0x1] =	wrdreg $0xFFFFFFFF  }
0xc5: {  	_ =	task.clear_ibuf [dreg:s5], $0x2FFFF;
	_ =	strace $0x9FFFFFFF  }
0xc6: {  	(tm) =	ssettm $0x7FFFFFFF  }
0xc7: {  	_ =	shalt  }
tec
execute0_lowered:
.L_overlay_start_1:
0x0: {  	(tag) =	ssettag $0x1  }
0x1: {  	s0 =	stileid.u32  }
0x2: {  	s1 =	smin.u32 s0, $0x9  }
0x3: {  	s1 =	sadd.s32 s0, s1  }
0x4: {  	s2 =	simm.s32 $0x320;
	p0 =	slt.u32 s0, $0x9;
	s1 =	smul.u32 $0x190, s1  }
0x5: {  	s2 =	simm.s32 @!p0 $0x190  }
0x6: {  	s2 =	sadd.s32 s2, s1  }
0x7: {  	s3 =	smin.u32 s2, $0x2710  }
0x8: {  	s7 =	ssub.s32 s3, s1  }
0x9: {  	p0 =	sgt.s32 s7, $0x0  }
0xa: {  	s7 =	simm.s32 @!p0 $0x0  }
0xb: {  	s31 =	sand.u32 $0xFFF0, s7  }
0xc: {  	s2 =	sshrl.u32 s31, $0x4  }
0xd: {  	s9 =	rddreg [dreg:$0x0];
	s2 =	smul.u32 $0xA3E, s2  }
0xe: {  	s4 =	rddreg [dreg:$0x1];
	s6 =	simm.s32 $0x1  }
0xf: {  	s11 =	simm.s32 $0x3;
	s13 =	simm.s32 $0x0;
	s8 =	sshrl.u32 s2, $0x10  }
0x10: {  	s12 =	simm.s32 $0x0;
	s5 =	sadd.s32 $0x818E00, s9;
	s10 =	smul.u32 $0x190, s8  }
.Ltmp0:
0x11: {  	s9 =	sadd.s32 $0xA4400, s9;
	s2 =	rddreg [dreg:$0x2];
	(pc) =	sbr.rel .LBB2_1-.Ltmp0, $4  }
0x12: {  	_ =	strace $0x80000050;
	p0 =	sne.s32 s7, s10;
	s10 =	simm.s32 $0x1  }
0x13: {  	[sflag:s6] =	ssyncpa.u1 $0x0;
	s7 =	simm.s32 $0x2;
	s10 =	simm.s32 @!p0 $0x0  }
0x14: {  	[sflag:s7] =	ssyncpa.u1 $0x0;
	p0 =	por $0x0, $0x0;
	s8 =	sadd.s32 s8, s10  }
0x15: {  	vm0 =	vmmov $0xff;
	vm1 =	vcmask $0x3F20;
	[sflag:s11] =	ssyncpa.u1 $0x0;
	s11 =	smov.u32 s1;
	s10 =	sadd.s32 $0x1, s8  }
.LBB2_6:
0x16: {  	[hbm:s17] =	stream.linear.scatter [tilespmem:s14], [sflag:$0x3], $0x400, $0x38;
	[tilespmem:$0x19320] =	vst v63  }
.LBB2_7:
0x17: {  	s13 =	sadd.s32 $0x190, s11  }
0x18: {  	s15 =	smov.u32 s1;
	p2 =	slt.s32 s13, s3  }
0x19: {  	s15 =	smov.u32 @p2 s13;
	p2 =	sne.s32 s12, s10  }
.Ltmp1:
0x1a: {  	p1 =	slt.u32 s12, $0x2;
	(pc) =	sbr.rel @!p2 .LBB2_8-.Ltmp1, $4  }
0x1b: {  	s14 =	simm.s32 @!p1 $0x3  }
0x1c: {  	s16 =	sadd.s32 $0x1, s12;
	_ =	swait.ge @!p1 [sflag:s14], $0xC800  }
0x1d: {  	p0 =	por !p0, !p0;
	s13 =	smov.u32 s11;
	[sflag:s14] =	ssyncset.done @!p1 $0x0  }
0x1e: {  	s12 =	smov.u32 s16;
	s11 =	smov.u32 s15;
	[sflag:s14] =	ssyncadd.s32 @!p1 $0xFFFF3800  }
.LBB2_1:
0x1f: {  	p1 =	sge.u32 s12, s8  }
0x20: {  	s14 =	sxor.u32 @!p1 $0xFFFFFFFF, s12  }
0x21: {  	s14 =	sand.u32 @!p1 $0x1, s14  }
0x22: {  	s14 =	smul.u32 @!p1 $0x640, s14  }
0x23: {  	s31 =	sadd.s32 $0xFFFFFFFF, s12;
	s15 =	sshrl.u32 @!p1 s11, $0x3  }
0x24: {  	s16 =	sand.u32 @!p1 $0x7, s11;
	s15 =	sadd.s32 @!p1 s4, s15;
	s14 =	sshrl.u32 @!p1 s14, $0x2  }
0x25: {  	[tilespmem:s14], [sflag:$0x2] =	stream.linear.gather @!p1 [hbm4b:s15+s16], $0x190, $0x38;
	[tilespmem:$0x19320] =	vst v63  }
0x26: {  	p1 =	sge.u32 s31, s8  }
.Ltmp2:
0x27: {  	_ = 	snop;
	(pc) =	sbr.rel @p1 .LBB2_7-.Ltmp2, $1  }
0x28: {  	_ =	sdelay $0x3  }
0x29: {  	s14 =	simm.s32 $0x1  }
0x2a: {  	s14 =	simm.s32 @!p0 $0x0  }
0x2b: {  	s15 =	smul.u32 $0x640, s14  }
0x2c: {  	_ =	swait.ge [sflag:s7], $0x190  }
0x2d: {  	[sflag:s7] =	ssyncset.done $0x0;
	s16 =	sshrl.u32 s15, $0x2  }
0x2e: {  	[sflag:s7] =	ssyncadd.s32 $0xFFFFFE70;
	s15 =	sadd.s32 $0x0, s16  }
0x2f: {  	v0 =	vld.msk [tilespmem:s15+$0x0 ss:$0x1], $0xffff;
	_ =	sdelay $0x4  }
0x30: {  	vm2 =	vgt.s32 v0, $0x0  }
0x31: {  	v0 =	vnsel vm2, $0x0, v0  }
0x32: {  	v0 =	vmin.u32 v0, $0x30D3F  }
0x33: {  	v0 =	vshll.u32 v0, $0x4  }
0x34: {  	s14 =	smul.u32 $0x32000, s14;
	_ =	sdelay $0x1  }
0x35: {  	s14 =	sshrl.u32 s14, $0x2  }
0x36: {  	s14 =	sor.u32 $0x320, s14  }
0x37: {  	[tilespmem:s14], [sflag:$0x1] =	stream.indirect_vreg.gather [hbm:s5], $0x80, v0, vm0, $0x38;
	[tilespmem:$0x19320] =	vst v63  }
0x38: {  	s17 =	sadd.s32 $0x10, s16;
	s15 =	sadd.s32 $0x400, s14  }
0x39: {  	[tilespmem:s15], [sflag:$0x1] =	stream.indirect_vreg.gather [hbm:s5], $0x80, v0, vm1, $0x38;
	[tilespmem:$0x19320] =	vst v63  }
0x3a: {  	s18 =	simm.s32 $0x80;
	v0 =	vld.msk [tilespmem:s17+$0x0 ss:$0x1], $0xffff;
	s17 =	smov.u32 s14  }
.LBB2_3:
0x3b: {  	p1 =	sne.s32 s18, $0x600;
	_ =	sdelay $0x4  }
0x3c: {  	vm2 =	vgt.s32 v0, $0x0  }
0x3d: {  	v0 =	vnsel vm2, $0x0, v0  }
0x3e: {  	v0 =	vmin.u32 v0, $0x30D3F  }
0x3f: {  	v0 =	vshll.u32 v0, $0x4;
	_ =	sdelay $0x3  }
.Ltmp3:
0x40: {  	s19 =	sshra.s32 s18, $0x2;
	s17 =	sadd.s32 $0x800, s17;
	(pc) =	sbr.rel @p1 .LBB2_3-.Ltmp3, $4  }
0x41: {  	[tilespmem:s17], [sflag:$0x1] =	stream.indirect_vreg.gather [hbm:s5], $0x80, v0, vm0, $0x38;
	[tilespmem:$0x19320] =	vst v63  }
0x42: {  	s19 =	sadd.s32 s19, s16;
	s20 =	sadd.s32 $0x400, s17  }
0x43: {  	[tilespmem:s20], [sflag:$0x1] =	stream.indirect_vreg.gather [hbm:s5], $0x80, v0, vm1, $0x38;
	[tilespmem:$0x19320] =	vst v63  }
0x44: {  	s18 =	sadd.s32 $0x40, s18;
	v0 =	vld.msk [tilespmem:s19+$0x0 ss:$0x1], $0xffff  }
0x45: {  	_ =	sdelay $0x3  }
0x46: {  	vm2 =	vgt.s32 v0, $0x0  }
0x47: {  	v0 =	vnsel vm2, $0x0, v0  }
0x48: {  	v0 =	vmin.u32 v0, $0x30D3F  }
0x49: {  	v0 =	vshll.u32 v0, $0x4;
	_ =	sdelay $0x3  }
0x4a: {  	s16 =	sadd.s32 $0x800, s17  }
0x4b: {  	[tilespmem:s16], [sflag:$0x1] =	stream.indirect_vreg.gather [hbm:s5], $0x80, v0, vm0, $0x38;
	[tilespmem:$0x19320] =	vst v63  }
0x4c: {  	s16 =	sadd.s32 $0x400, s16  }
0x4d: {  	[tilespmem:s16], [sflag:$0x1] =	stream.indirect_vreg.gather [hbm:s5], $0x80, v0, vm1, $0x38;
	[tilespmem:$0x19320] =	vst v63  }
0x4e: {  	s13 =	sshll.u32 s13, $0x4;
	_ =	swait.ge [sflag:s6], $0xC800  }
0x4f: {  	s13 =	sadd.s32 s13, s9;
	[sflag:s6] =	ssyncset.done $0x0  }
0x50: {  	s17 =	sadd.s32 $0x0, s13;
	s16 =	simm.s32 $0x80;
	[sflag:s6] =	ssyncadd.s32 $0xFFFF3800  }
.LBB2_5:
0x51: {  	[hbm:s17] =	stream.linear.scatter [tilespmem:s14], [sflag:$0x3], $0x400, $0x38;
	[tilespmem:$0x19320] =	vst v63  }
0x52: {  	s17 =	smov.u32 s16;
	s14 =	smov.u32 s15;
	p1 =	sne.s32 s16, $0x1880  }
.Ltmp4:
0x53: {  	s16 =	sadd.s32 $0x80, s16;
	(pc) =	sbr.rel @p1 .LBB2_5-.Ltmp4, $2  }
0x54: {  	_ =	sdelay $0x2  }
0x55: {  	s15 =	sadd.s32 $0x400, s15;
	s17 =	sadd.s32 s17, s13  }
.Ltmp5:
0x56: {  	_ = 	snop;
	(pc) =	sbr.rel .LBB2_6-.Ltmp5, $1  }
0x57: {  	_ =	sdelay $0x3  }
.LBB2_8:
0x58: {  	_ =	sfence.sel $0x180000  }
0x59: {  	s1 =	simm.s32 $0x2;
	[bflag:$0x0] =	sbarrier.arrive $0xFFFF  }
0x5a: {  	s30 =	simm.s32 $0x3;
	[sflag:s1] =	ssyncpa.u1 $0x1  }
0x5b: {  	s31 =	simm.s32 $0x1;
	[sflag:s30] =	ssyncpa.u1 $0x1  }
0x5c: {  	[sflag:s31] =	ssyncpa.u1 $0x1  }
0x5d: {  	p0 =	sne.s32 s0, $0x0;
	_ =	strace $0x90000050  }
0x5e: {  	s0 =	sadd.s32 @!p0 $0x100000, s2;
	[bflag:$0x2] =	sbarrier.arrive $0xFFFF  }
0x5f: {  	[sflag:s0] =	ssyncadd.tile.s32 @!p0 $0x1;
	_ =	shalt  }
.Lfunc_end2:
_tile_overlayer_lowered:
.L_overlay_start_2:
0x60: {  	(tag) =	ssettag $0x2  }
0x61: {  	s0 =	rddreg [dreg:$0x0];
	s2 =	stileid.u32  }
0x62: {  	s1 =	rddreg [dreg:$0x1];
	p0 =	sne.s32 s2, $0x0  }
0x63: {  	s3 =	rddreg [dreg:$0x2];
	[bflag:$0x3] =	sbarrier.arrive $0xFFFF;
	s2 =	simm.s32 @!p0 $0x1C01  }
0x64: {  	[timem:s3], [sflag:s2] =	dma.local @!p0 [hbm:s0], s1  }
0x65: {  	s0 =	simm.s32 @!p0 $0x1  }
0x66: {  	_ =	swait.ge @!p0 [sflag:s0], s1  }
0x67: {  	s1 =	ssub.s32 @!p0 $0x0, s1;
	[sflag:s0] =	ssyncset.done @!p0 $0x0  }
0x68: {  	[sflag:s0] =	ssyncadd.s32 @!p0 s1  }
0x69: {  	[bflag:$0x3] =	sbarrier.arrive $0xFFFF  }
0x6a: {  	_ =	shalt  }

// kernel: gather_offload_async_start.5
scs
__scs_entry_jumppad:
0x0: {  	(pc) =	sbr.rel $0x88, $3  }
0x1: {  	(tag) =	ssettag $0x0;
	lr =	simm.s32 $0x1  }
0x2: {  	[smem:$0x3F9A] =	sst lr;
	_ =	strace $0xD0000000  }
0x3: {  	_ = 	snop  }
0x4: {  	_ = 	snop  }
0x5: {  	_ = 	snop  }
0x6: {  	_ = 	snop  }
0x7: {  	_ = 	snop  }
__scs_overlays_trampoline_lowered:
0x8: {  	[smem:$0x3FA9] =	sst s0  }
0x9: {  	[smem:$0x3FAA] =	sst s1  }
0xa: {  	[smem:$0x3FAB] =	sst s2  }
0xb: {  	[smem:$0x3FAC] =	sst s3  }
0xc: {  	[smem:$0x3FAD] =	sst s4  }
0xd: {  	[smem:$0x3FAE] =	sst s5  }
0xe: {  	[smem:$0x3FAF] =	sst s6  }
0xf: {  	[smem:$0x3FB0] =	sst s7  }
0x10: {  	[smem:$0x3FB1] =	sst s8  }
0x11: {  	[smem:$0x3FB2] =	sst s9;
	s0 =	simm.s32 @!p0 $0x0  }
0x12: {  	s1 =	sld [smem:$0x3F98];
	s0 =	simm.s32 @p0 $0x1  }
0x13: {  	[smem:$0x3FB3] =	sst s0;
	s0 =	simm.s32 @!p1 $0x0  }
0x14: {  	s2 =	sld [smem:$0x3F97];
	s0 =	simm.s32 @p1 $0x1  }
0x15: {  	[smem:$0x3FB4] =	sst s0;
	s0 =	simm.s32 @!p2 $0x0  }
0x16: {  	s3 =	sld [smem:$0x3FDB];
	s0 =	simm.s32 @p2 $0x1  }
0x17: {  	s4 =	simm.s32 $0x1BF5;
	[smem:$0x3FB6] =	sst s0  }
0x18: {  	s0 =	sld [smem:$0x3F99];
	_ =	swait.ge [sflag:s4], $0x0  }
0x19: {  	s7 =	sld [smem:$0x3F9A]  }
0x1a: {  	s8 =	sadd.s32 $0xFFFFE003, lr  }
0x1b: {  	s9 =	sadd.s32 $0xFFFFFEF7, lr;
	s5 =	simm.s32 $0xFFFFFFFF;
	p2 =	slt.u32 s8, $0xFFFFF086  }
0x1c: {  	p1 =	slt.u32 s9, $0xF7A;
	s5 =	simm.s32 @!p2 $0x0  }
0x1d: {  	s5 =	simm.s32 @p1 $0x1;
	p0 =	seq.s32 s7, s2  }
0x1e: {  	s7 =	smul.u32 @!p0 $0xF7A, s2;
	p2 =	seq.s32 @!p0 s5, $0x0  }
0x1f: {  	s9 =	smul.u32 $0xF7A, s1;
	s8 =	simm.s32 @!p0 $0x1BF5;
	p2 =	por !p2, p0  }
0x20: {  	[sflag:s8] =	ssyncset.s32 @!p0 $0xFFFFF086;
	s6 =	sadd.s32 @!p0 s3, s7;
	s7 =	simm.s32 @!p0 $0x108  }
0x21: {  	s3 =	sadd.s32 s3, s9;
	s6 =	sadd.s32 @!p0 $0x88, s6;
	s7 =	simm.s32 @p2 $0x1082  }
0x22: {  	[simem:s7], [sflag:s8] =	dma.local @!p0 [hbm:s6], $0xF7A  }
0x23: {  	s9 =	sor.u32 $0xD0000000, s2;
	s6 =	simm.s32 $0x108;
	_ =	swait.ge @!p0 [sflag:s8], $0x0  }
0x24: {  	s3 =	sadd.s32 $0x88, s3;
	s6 =	simm.s32 @!p1 $0x1082;
	[sflag:s4] =	ssyncset.s32 $0xFFFFF086  }
0x25: {  	[simem:s6], [sflag:s4] =	dma.local [hbm:s3], $0xF7A  }
0x26: {  	[smem:$0x3F9A] =	sst s1;
	(tag) =	ssettag s2;
	_ =	strace s9  }
0x27: {  	s1 =	sld [smem:$0x3FAA]  }
0x28: {  	s2 =	sld [smem:$0x3FAB]  }
0x29: {  	s4 =	sld [smem:$0x3FAD]  }
0x2a: {  	p0 =	seq.s32 s5, $0x0;
	s5 =	sld [smem:$0x3FAE]  }
0x2b: {  	s6 =	sld [smem:$0x3FAF]  }
0x2c: {  	s7 =	sld [smem:$0x3FB0]  }
0x2d: {  	s3 =	simm.s32 $0x108;
	s8 =	sld [smem:$0x3FB1]  }
0x2e: {  	s3 =	simm.s32 @!p0 $0x1082;
	s9 =	sld [smem:$0x3FB2]  }
0x2f: {  	lr =	sadd.s32 s0, s3;
	s0 =	sld [smem:$0x3FA9]  }
0x30: {  	s3 =	sld [smem:$0x3FAC]  }
0x31: {  	[smem:$0x3FB5] =	sst s10  }
0x32: {  	s10 =	sld [smem:$0x3FB3];
	_ =	sdelay $0x3  }
0x33: {  	p0 =	seq.s32 s10, $0x1;
	s10 =	sld [smem:$0x3FB5];
	_ =	sdelay $0x3  }
0x34: {  	[smem:$0x3FB5] =	sst s10  }
0x35: {  	s10 =	sld [smem:$0x3FB4];
	_ =	sdelay $0x3  }
0x36: {  	p1 =	seq.s32 s10, $0x1;
	s10 =	sld [smem:$0x3FB5];
	_ =	sdelay $0x3  }
0x37: {  	[smem:$0x3FB5] =	sst s10  }
0x38: {  	s10 =	sld [smem:$0x3FB6]  }
0x39: {  	_ = 	snop;
	(pc) =	sbr.ind lr, $3  }
0x3a: {  	_ = 	snop  }
0x3b: {  	_ = 	snop  }
0x3c: {  	p2 =	seq.s32 s10, $0x1;
	s10 =	sld [smem:$0x3FB5]  }
0x3d: {  	_ =	shalt  }
0x3e: {  	_ =	shalt  }
0x3f: {  	_ =	shalt  }
0x40: {  	_ =	shalt  }
0x41: {  	_ =	shalt  }
0x42: {  	_ =	shalt  }
0x43: {  	_ =	shalt  }
0x44: {  	_ =	shalt  }
0x45: {  	_ =	shalt  }
0x46: {  	_ =	shalt  }
0x47: {  	_ =	shalt  }
0x48: {  	_ =	shalt  }
0x49: {  	_ =	shalt  }
0x4a: {  	_ =	shalt  }
0x4b: {  	_ =	shalt  }
0x4c: {  	_ =	shalt  }
0x4d: {  	_ =	shalt  }
0x4e: {  	_ =	shalt  }
0x4f: {  	_ =	shalt  }
0x50: {  	_ =	shalt  }
0x51: {  	_ =	shalt  }
0x52: {  	_ =	shalt  }
0x53: {  	_ =	shalt  }
0x54: {  	_ =	shalt  }
0x55: {  	_ =	shalt  }
0x56: {  	_ =	shalt  }
0x57: {  	_ =	shalt  }
0x58: {  	_ =	shalt  }
0x59: {  	_ =	shalt  }
0x5a: {  	_ =	shalt  }
0x5b: {  	_ =	shalt  }
0x5c: {  	_ =	shalt  }
0x5d: {  	_ =	shalt  }
0x5e: {  	_ =	shalt  }
0x5f: {  	_ =	shalt  }
0x60: {  	_ =	shalt  }
0x61: {  	_ =	shalt  }
0x62: {  	_ =	shalt  }
0x63: {  	_ =	shalt  }
0x64: {  	_ =	shalt  }
0x65: {  	_ =	shalt  }
0x66: {  	_ =	shalt  }
0x67: {  	_ =	shalt  }
0x68: {  	_ =	shalt  }
0x69: {  	_ =	shalt  }
0x6a: {  	_ =	shalt  }
0x6b: {  	_ =	shalt  }
0x6c: {  	_ =	shalt  }
0x6d: {  	_ =	shalt  }
0x6e: {  	_ =	shalt  }
0x6f: {  	_ =	shalt  }
0x70: {  	_ =	shalt  }
0x71: {  	_ =	shalt  }
0x72: {  	_ =	shalt  }
0x73: {  	_ =	shalt  }
0x74: {  	_ =	shalt  }
0x75: {  	_ =	shalt  }
0x76: {  	_ =	shalt  }
0x77: {  	_ =	shalt  }
0x78: {  	_ =	shalt  }
0x79: {  	_ =	shalt  }
0x7a: {  	_ =	shalt  }
0x7b: {  	_ =	shalt  }
0x7c: {  	_ =	shalt  }
0x7d: {  	_ =	shalt  }
0x7e: {  	_ =	shalt  }
0x7f: {  	_ =	shalt  }
0x80: {  	_ =	shalt  }
0x81: {  	_ =	shalt  }
0x82: {  	_ =	shalt  }
0x83: {  	_ =	shalt  }
0x84: {  	_ =	shalt  }
0x85: {  	_ =	shalt  }
0x86: {  	_ =	shalt  }
0x87: {  	_ =	shalt  }
.Lfunc_end0:
.L_simem_size_0:
called_computation.5_lowered:
.L_overlay_start_0:
0x88: {  	s0 =	sld [smem:$0x3FD9]  }
0x89: {  	s1 =	sld [smem:$0x3FFE];
	_ =	sdelay $0x3  }
0x8a: {  	s0 =	sadd.s32 s1, s0  }
0x8b: {  	[smem:$0x3FC1] =	sst s0  }
0x8c: {  	_ = 	snop  }
0x8d: {  	s0 =	sld [smem:$0x3FD0];
	_ =	sdelay $0x2  }
0x8e: {  	s13 =	simm.s32 $0xD;
	s2 =	simm.s32 $0x10  }
0x8f: {  	[smem:s2], [sflag:s13] =	dma.local [hbm:s0], $0x1  }
0x90: {  	_ =	swait.eq [sflag:s13], $0x1  }
0x91: {  	[sflag:s13] =	ssyncset.done $0x0  }
0x92: {  	[sflag:s13] =	ssyncadd.s32 $0xFFFFFFFF  }
0x93: {  	s14 =	sld [smem:$0x15];
	(tm) =	ssettm $0x1  }
0x94: {  	s15 =	sld [smem:$0x3FFB];
	_ =	sdelay $0x3  }
0x95: {  	_ =	strace s15  }
0x96: {  	s1 =	sld [smem:$0x3FFC];
	_ =	sdelay $0x3  }
0x97: {  	_ =	strace s1  }
0x98: {  	s1 =	sld [smem:$0x3FFD];
	_ =	sdelay $0x3  }
0x99: {  	_ =	strace s1  }
0x9a: {  	_ =	strace $0x8FFFFFFF  }
0x9b: {  	s16 =	sld [smem:$0x3FDB];
	_ =	sdelay $0x1  }
0x9c: {  	s17 =	simm.s32 $_scs_section_size  }
0x9d: {  	s3 =	simm.s32 $_size__tile_overlayer_lowered;
	s4 =	simm.s32 $_tile_overlayer_lowered  }
0x9e: {  	s20 =	simm.s32 $0x1BFF;
	s19 =	sshll.u32 s4, $0x1;
	s1 =	sadd.s32 s17, s16  }
0x9f: {  	s5 =	simm.s32 $0x0;
	s18 =	sshll.u32 s3, $0x1;
	s3 =	sadd.s32 s19, s1  }
0xa0: {  	[timem:s5], [sflag:s20] =	dma.local [hbm:s3], s18  }
0xa1: {  	_ =	swait.ge [sflag:s20], s18  }
0xa2: {  	s2 =	ssub.s32 $0x0, s18;
	[sflag:s20] =	ssyncset.done $0x0  }
0xa3: {  	[sflag:s20] =	ssyncadd.s32 s2;
	_ =	sdelay $0x1  }
0xa4: {  	s21 =	simm.s32 $0x1B8B  }
0xa5: {  	_ =	swait.ge [sflag:s21], $0x1  }
0xa6: {  	[sflag:s21] =	ssyncset.done $0x0  }
0xa7: {  	s23 =	simm.s32 $0x1B8E;
	s22 =	sld [smem:$0x3FFE];
	[sflag:s21] =	ssyncadd.s32 $0xFFFFFFFF  }
0xa8: {  	s24 =	simm.s32 $execute0_lowered;
	[smem:$0x3FD2] =	sst s23  }
0xa9: {  	s3 =	sshll.u32 s24, $0x1;
	_ =	strace $0x8000004C;
	[dreg:$0x1] =	wrdreg $0xFFFFFFFF  }
0xaa: {  	s25 =	simm.s32 $_size_execute0_lowered;
	s1 =	sadd.s32 s1, s3;
	[dreg:$0x0] =	wrdreg $0x0  }
0xab: {  	s3 =	sshll.u32 s25, $0x1;
	[dreg:$0x2] =	wrdreg s1  }
0xac: {  	[dreg:$0x3] =	wrdreg s3  }
0xad: {  	[dreg:$0x4] =	wrdreg $0xC0  }
0xae: {  	_ =	task [dreg:s5], $0x5FFFF  }
0xaf: {  	[dreg:$0x1] =	wrdreg $0xFFFFFFFF  }
0xb0: {  	[dreg:$0x0] =	wrdreg $0x60  }
0xb1: {  	[dreg:$0x2] =	wrdreg s22  }
0xb2: {  	[dreg:$0x3] =	wrdreg s14  }
0xb3: {  	[dreg:$0x4] =	wrdreg $0xA  }
0xb4: {  	_ =	task.clear_ibuf [dreg:s5], $0x5FFFF;
	_ =	strace $0x9000004C  }
0xb5: {  	s26 =	simm.s32 $0xA;
	_ =	strace $0x8000004E  }
0xb6: {  	_ =	swait.ge [sflag:s26], $0x1  }
0xb7: {  	[sflag:s26] =	ssyncadd.s32 $0xFFFFFFFF  }
0xb8: {  	_ =	strace $0x9000004E  }
0xb9: {  	_ =	sfence  }
0xba: {  	s28 =	sld [smem:$0x0];
	_ =	sdelay $0x1  }
0xbb: {  	s29 =	srdreg.scid  }
0xbc: {  	s30 =	sshll.u32 s29, $0xD;
	s31 =	sshrl.u32 s29, $0x2  }
0xbd: {  	s2 =	sand.u32 $0x4000, s30;
	s1 =	sand.u32 $0x1, s29;
	s0 =	sadd.s32 s31, s28  }
0xbe: {  	s1 =	sor.u32 s2, s1;
	s0 =	sshll.u32 s0, $0x11  }
0xbf: {  	s0 =	sor.u32 s0, s1  }
0xc0: {  	s0 =	sadd.s32 $0x8F2B, s0  }
0xc1: {  	[sflag:s0] =	ssyncadd.remote.s32 $0x1  }
0xc2: {  	_ =	sfence.sel $0xFFFF  }
0xc3: {  	[dreg:$0x0] =	wrdreg $0xFFFFFFFF;
	(pc) =	sbr.abs _section_cstart, $3  }
0xc4: {  	[dreg:$0x1] =	wrdreg $0xFFFFFFFF  }
0xc5: {  	_ =	task.clear_ibuf [dreg:s5], $0x2FFFF;
	_ =	strace $0x9FFFFFFF  }
0xc6: {  	(tm) =	ssettm $0x7FFFFFFF  }
0xc7: {  	_ =	shalt  }
tec
execute0_lowered:
.L_overlay_start_1:
0x0: {  	(tag) =	ssettag $0x1  }
0x1: {  	s0 =	stileid.u32  }
0x2: {  	s1 =	smin.u32 s0, $0x9  }
0x3: {  	s1 =	sadd.s32 s0, s1  }
0x4: {  	s2 =	simm.s32 $0x320;
	p0 =	slt.u32 s0, $0x9;
	s1 =	smul.u32 $0x190, s1  }
0x5: {  	s2 =	simm.s32 @!p0 $0x190  }
0x6: {  	s2 =	sadd.s32 s2, s1  }
0x7: {  	s3 =	smin.u32 s2, $0x2710  }
0x8: {  	s7 =	ssub.s32 s3, s1  }
0x9: {  	p0 =	sgt.s32 s7, $0x0  }
0xa: {  	s7 =	simm.s32 @!p0 $0x0  }
0xb: {  	s31 =	sand.u32 $0xFFF0, s7  }
0xc: {  	s2 =	sshrl.u32 s31, $0x4  }
0xd: {  	s9 =	rddreg [dreg:$0x0];
	s2 =	smul.u32 $0xA3E, s2  }
0xe: {  	s4 =	rddreg [dreg:$0x1];
	s6 =	simm.s32 $0x1  }
0xf: {  	s11 =	simm.s32 $0x3;
	s13 =	simm.s32 $0x0;
	s8 =	sshrl.u32 s2, $0x10  }
0x10: {  	s12 =	simm.s32 $0x0;
	s5 =	sadd.s32 $0x1FE600, s9;
	s10 =	smul.u32 $0x190, s8  }
.Ltmp0:
0x11: {  	s9 =	sadd.s32 $0x56000, s9;
	s2 =	rddreg [dreg:$0x2];
	(pc) =	sbr.rel .LBB2_1-.Ltmp0, $4  }
0x12: {  	_ =	strace $0x8000004D;
	p0 =	sne.s32 s7, s10;
	s10 =	simm.s32 $0x1  }
0x13: {  	[sflag:s6] =	ssyncpa.u1 $0x0;
	s7 =	simm.s32 $0x2;
	s10 =	simm.s32 @!p0 $0x0  }
0x14: {  	[sflag:s7] =	ssyncpa.u1 $0x0;
	p0 =	por $0x0, $0x0;
	s8 =	sadd.s32 s8, s10  }
0x15: {  	vm0 =	vmmov $0xff;
	vm1 =	vcmask $0x3F20;
	[sflag:s11] =	ssyncpa.u1 $0x0;
	s11 =	smov.u32 s1;
	s10 =	sadd.s32 $0x1, s8  }
.LBB2_6:
0x16: {  	[hbm:s17] =	stream.linear.scatter [tilespmem:s14], [sflag:$0x3], $0x400, $0x38;
	[tilespmem:$0x19320] =	vst v63  }
.LBB2_7:
0x17: {  	s13 =	sadd.s32 $0x190, s11  }
0x18: {  	s15 =	smov.u32 s1;
	p2 =	slt.s32 s13, s3  }
0x19: {  	s15 =	smov.u32 @p2 s13;
	p2 =	sne.s32 s12, s10  }
.Ltmp1:
0x1a: {  	p1 =	slt.u32 s12, $0x2;
	(pc) =	sbr.rel @!p2 .LBB2_8-.Ltmp1, $4  }
0x1b: {  	s14 =	simm.s32 @!p1 $0x3  }
0x1c: {  	s16 =	sadd.s32 $0x1, s12;
	_ =	swait.ge @!p1 [sflag:s14], $0xC800  }
0x1d: {  	p0 =	por !p0, !p0;
	s13 =	smov.u32 s11;
	[sflag:s14] =	ssyncset.done @!p1 $0x0  }
0x1e: {  	s12 =	smov.u32 s16;
	s11 =	smov.u32 s15;
	[sflag:s14] =	ssyncadd.s32 @!p1 $0xFFFF3800  }
.LBB2_1:
0x1f: {  	p1 =	sge.u32 s12, s8  }
0x20: {  	s14 =	sxor.u32 @!p1 $0xFFFFFFFF, s12  }
0x21: {  	s14 =	sand.u32 @!p1 $0x1, s14  }
0x22: {  	s14 =	smul.u32 @!p1 $0x640, s14  }
0x23: {  	s31 =	sadd.s32 $0xFFFFFFFF, s12;
	s15 =	sshrl.u32 @!p1 s11, $0x3  }
0x24: {  	s16 =	sand.u32 @!p1 $0x7, s11;
	s15 =	sadd.s32 @!p1 s4, s15;
	s14 =	sshrl.u32 @!p1 s14, $0x2  }
0x25: {  	[tilespmem:s14], [sflag:$0x2] =	stream.linear.gather @!p1 [hbm4b:s15+s16], $0x190, $0x38;
	[tilespmem:$0x19320] =	vst v63  }
0x26: {  	p1 =	sge.u32 s31, s8  }
.Ltmp2:
0x27: {  	_ = 	snop;
	(pc) =	sbr.rel @p1 .LBB2_7-.Ltmp2, $1  }
0x28: {  	_ =	sdelay $0x3  }
0x29: {  	s14 =	simm.s32 $0x1  }
0x2a: {  	s14 =	simm.s32 @!p0 $0x0  }
0x2b: {  	s15 =	smul.u32 $0x640, s14  }
0x2c: {  	_ =	swait.ge [sflag:s7], $0x190  }
0x2d: {  	[sflag:s7] =	ssyncset.done $0x0;
	s16 =	sshrl.u32 s15, $0x2  }
0x2e: {  	[sflag:s7] =	ssyncadd.s32 $0xFFFFFE70;
	s15 =	sadd.s32 $0x0, s16  }
0x2f: {  	v0 =	vld.msk [tilespmem:s15+$0x0 ss:$0x1], $0xffff;
	_ =	sdelay $0x4  }
0x30: {  	vm2 =	vgt.s32 v0, $0x0  }
0x31: {  	v0 =	vnsel vm2, $0x0, v0  }
0x32: {  	v0 =	vmin.u32 v0, $0x30D3F  }
0x33: {  	v0 =	vshll.u32 v0, $0x4  }
0x34: {  	s14 =	smul.u32 $0x32000, s14;
	_ =	sdelay $0x1  }
0x35: {  	s14 =	sshrl.u32 s14, $0x2  }
0x36: {  	s14 =	sor.u32 $0x320, s14  }
0x37: {  	[tilespmem:s14], [sflag:$0x1] =	stream.indirect_vreg.gather [hbm:s5], $0x80, v0, vm0, $0x38;
	[tilespmem:$0x19320] =	vst v63  }
0x38: {  	s17 =	sadd.s32 $0x10, s16;
	s15 =	sadd.s32 $0x400, s14  }
0x39: {  	[tilespmem:s15], [sflag:$0x1] =	stream.indirect_vreg.gather [hbm:s5], $0x80, v0, vm1, $0x38;
	[tilespmem:$0x19320] =	vst v63  }
0x3a: {  	s18 =	simm.s32 $0x80;
	v0 =	vld.msk [tilespmem:s17+$0x0 ss:$0x1], $0xffff;
	s17 =	smov.u32 s14  }
.LBB2_3:
0x3b: {  	p1 =	sne.s32 s18, $0x600;
	_ =	sdelay $0x4  }
0x3c: {  	vm2 =	vgt.s32 v0, $0x0  }
0x3d: {  	v0 =	vnsel vm2, $0x0, v0  }
0x3e: {  	v0 =	vmin.u32 v0, $0x30D3F  }
0x3f: {  	v0 =	vshll.u32 v0, $0x4;
	_ =	sdelay $0x3  }
.Ltmp3:
0x40: {  	s19 =	sshra.s32 s18, $0x2;
	s17 =	sadd.s32 $0x800, s17;
	(pc) =	sbr.rel @p1 .LBB2_3-.Ltmp3, $4  }
0x41: {  	[tilespmem:s17], [sflag:$0x1] =	stream.indirect_vreg.gather [hbm:s5], $0x80, v0, vm0, $0x38;
	[tilespmem:$0x19320] =	vst v63  }
0x42: {  	s19 =	sadd.s32 s19, s16;
	s20 =	sadd.s32 $0x400, s17  }
0x43: {  	[tilespmem:s20], [sflag:$0x1] =	stream.indirect_vreg.gather [hbm:s5], $0x80, v0, vm1, $0x38;
	[tilespmem:$0x19320] =	vst v63  }
0x44: {  	s18 =	sadd.s32 $0x40, s18;
	v0 =	vld.msk [tilespmem:s19+$0x0 ss:$0x1], $0xffff  }
0x45: {  	_ =	sdelay $0x3  }
0x46: {  	vm2 =	vgt.s32 v0, $0x0  }
0x47: {  	v0 =	vnsel vm2, $0x0, v0  }
0x48: {  	v0 =	vmin.u32 v0, $0x30D3F  }
0x49: {  	v0 =	vshll.u32 v0, $0x4;
	_ =	sdelay $0x3  }
0x4a: {  	s16 =	sadd.s32 $0x800, s17  }
0x4b: {  	[tilespmem:s16], [sflag:$0x1] =	stream.indirect_vreg.gather [hbm:s5], $0x80, v0, vm0, $0x38;
	[tilespmem:$0x19320] =	vst v63  }
0x4c: {  	s16 =	sadd.s32 $0x400, s16  }
0x4d: {  	[tilespmem:s16], [sflag:$0x1] =	stream.indirect_vreg.gather [hbm:s5], $0x80, v0, vm1, $0x38;
	[tilespmem:$0x19320] =	vst v63  }
0x4e: {  	s13 =	sshll.u32 s13, $0x4;
	_ =	swait.ge [sflag:s6], $0xC800  }
0x4f: {  	s13 =	sadd.s32 s13, s9;
	[sflag:s6] =	ssyncset.done $0x0  }
0x50: {  	s17 =	sadd.s32 $0x0, s13;
	s16 =	simm.s32 $0x80;
	[sflag:s6] =	ssyncadd.s32 $0xFFFF3800  }
.LBB2_5:
0x51: {  	[hbm:s17] =	stream.linear.scatter [tilespmem:s14], [sflag:$0x3], $0x400, $0x38;
	[tilespmem:$0x19320] =	vst v63  }
0x52: {  	s17 =	smov.u32 s16;
	s14 =	smov.u32 s15;
	p1 =	sne.s32 s16, $0x1880  }
.Ltmp4:
0x53: {  	s16 =	sadd.s32 $0x80, s16;
	(pc) =	sbr.rel @p1 .LBB2_5-.Ltmp4, $2  }
0x54: {  	_ =	sdelay $0x2  }
0x55: {  	s15 =	sadd.s32 $0x400, s15;
	s17 =	sadd.s32 s17, s13  }
.Ltmp5:
0x56: {  	_ = 	snop;
	(pc) =	sbr.rel .LBB2_6-.Ltmp5, $1  }
0x57: {  	_ =	sdelay $0x3  }
.LBB2_8:
0x58: {  	_ =	sfence.sel $0x180000  }
0x59: {  	s1 =	simm.s32 $0x2;
	[bflag:$0x0] =	sbarrier.arrive $0xFFFF  }
0x5a: {  	s30 =	simm.s32 $0x3;
	[sflag:s1] =	ssyncpa.u1 $0x1  }
0x5b: {  	s31 =	simm.s32 $0x1;
	[sflag:s30] =	ssyncpa.u1 $0x1  }
0x5c: {  	[sflag:s31] =	ssyncpa.u1 $0x1  }
0x5d: {  	p0 =	sne.s32 s0, $0x0;
	_ =	strace $0x9000004D  }
0x5e: {  	s0 =	sadd.s32 @!p0 $0x100000, s2;
	[bflag:$0x2] =	sbarrier.arrive $0xFFFF  }
0x5f: {  	[sflag:s0] =	ssyncadd.tile.s32 @!p0 $0x1;
	_ =	shalt  }
.Lfunc_end2:
_tile_overlayer_lowered:
.L_overlay_start_2:
0x60: {  	(tag) =	ssettag $0x2  }
0x61: {  	s0 =	rddreg [dreg:$0x0];
	s2 =	stileid.u32  }
0x62: {  	s1 =	rddreg [dreg:$0x1];
	p0 =	sne.s32 s2, $0x0  }
0x63: {  	s3 =	rddreg [dreg:$0x2];
	[bflag:$0x3] =	sbarrier.arrive $0xFFFF;
	s2 =	simm.s32 @!p0 $0x1C01  }
0x64: {  	[timem:s3], [sflag:s2] =	dma.local @!p0 [hbm:s0], s1  }
0x65: {  	s0 =	simm.s32 @!p0 $0x1  }
0x66: {  	_ =	swait.ge @!p0 [sflag:s0], s1  }
0x67: {  	s1 =	ssub.s32 @!p0 $0x0, s1;
	[sflag:s0] =	ssyncset.done @!p0 $0x0  }
0x68: {  	[sflag:s0] =	ssyncadd.s32 @!p0 s1  }
0x69: {  	[bflag:$0x3] =	sbarrier.arrive $0xFFFF  }
0x6a: {  	_ =	shalt  }

// kernel: gather_offload_async_start
scs
__scs_entry_jumppad:
0x0: {  	(pc) =	sbr.rel $0x88, $3  }
0x1: {  	(tag) =	ssettag $0x0;
	lr =	simm.s32 $0x1  }
0x2: {  	[smem:$0x3F9A] =	sst lr;
	_ =	strace $0xD0000000  }
0x3: {  	_ = 	snop  }
0x4: {  	_ = 	snop  }
0x5: {  	_ = 	snop  }
0x6: {  	_ = 	snop  }
0x7: {  	_ = 	snop  }
__scs_overlays_trampoline_lowered:
0x8: {  	[smem:$0x3FA9] =	sst s0  }
0x9: {  	[smem:$0x3FAA] =	sst s1  }
0xa: {  	[smem:$0x3FAB] =	sst s2  }
0xb: {  	[smem:$0x3FAC] =	sst s3  }
0xc: {  	[smem:$0x3FAD] =	sst s4  }
0xd: {  	[smem:$0x3FAE] =	sst s5  }
0xe: {  	[smem:$0x3FAF] =	sst s6  }
0xf: {  	[smem:$0x3FB0] =	sst s7  }
0x10: {  	[smem:$0x3FB1] =	sst s8  }
0x11: {  	[smem:$0x3FB2] =	sst s9;
	s0 =	simm.s32 @!p0 $0x0  }
0x12: {  	s1 =	sld [smem:$0x3F98];
	s0 =	simm.s32 @p0 $0x1  }
0x13: {  	[smem:$0x3FB3] =	sst s0;
	s0 =	simm.s32 @!p1 $0x0  }
0x14: {  	s2 =	sld [smem:$0x3F97];
	s0 =	simm.s32 @p1 $0x1  }
0x15: {  	[smem:$0x3FB4] =	sst s0;
	s0 =	simm.s32 @!p2 $0x0  }
0x16: {  	s3 =	sld [smem:$0x3FDB];
	s0 =	simm.s32 @p2 $0x1  }
0x17: {  	s4 =	simm.s32 $0x1BF5;
	[smem:$0x3FB6] =	sst s0  }
0x18: {  	s0 =	sld [smem:$0x3F99];
	_ =	swait.ge [sflag:s4], $0x0  }
0x19: {  	s7 =	sld [smem:$0x3F9A]  }
0x1a: {  	s8 =	sadd.s32 $0xFFFFE003, lr  }
0x1b: {  	s9 =	sadd.s32 $0xFFFFFEF7, lr;
	s5 =	simm.s32 $0xFFFFFFFF;
	p2 =	slt.u32 s8, $0xFFFFF086  }
0x1c: {  	p1 =	slt.u32 s9, $0xF7A;
	s5 =	simm.s32 @!p2 $0x0  }
0x1d: {  	s5 =	simm.s32 @p1 $0x1;
	p0 =	seq.s32 s7, s2  }
0x1e: {  	s7 =	smul.u32 @!p0 $0xF7A, s2;
	p2 =	seq.s32 @!p0 s5, $0x0  }
0x1f: {  	s9 =	smul.u32 $0xF7A, s1;
	s8 =	simm.s32 @!p0 $0x1BF5;
	p2 =	por !p2, p0  }
0x20: {  	[sflag:s8] =	ssyncset.s32 @!p0 $0xFFFFF086;
	s6 =	sadd.s32 @!p0 s3, s7;
	s7 =	simm.s32 @!p0 $0x108  }
0x21: {  	s3 =	sadd.s32 s3, s9;
	s6 =	sadd.s32 @!p0 $0x88, s6;
	s7 =	simm.s32 @p2 $0x1082  }
0x22: {  	[simem:s7], [sflag:s8] =	dma.local @!p0 [hbm:s6], $0xF7A  }
0x23: {  	s9 =	sor.u32 $0xD0000000, s2;
	s6 =	simm.s32 $0x108;
	_ =	swait.ge @!p0 [sflag:s8], $0x0  }
0x24: {  	s3 =	sadd.s32 $0x88, s3;
	s6 =	simm.s32 @!p1 $0x1082;
	[sflag:s4] =	ssyncset.s32 $0xFFFFF086  }
0x25: {  	[simem:s6], [sflag:s4] =	dma.local [hbm:s3], $0xF7A  }
0x26: {  	[smem:$0x3F9A] =	sst s1;
	(tag) =	ssettag s2;
	_ =	strace s9  }
0x27: {  	s1 =	sld [smem:$0x3FAA]  }
0x28: {  	s2 =	sld [smem:$0x3FAB]  }
0x29: {  	s4 =	sld [smem:$0x3FAD]  }
0x2a: {  	p0 =	seq.s32 s5, $0x0;
	s5 =	sld [smem:$0x3FAE]  }
0x2b: {  	s6 =	sld [smem:$0x3FAF]  }
0x2c: {  	s7 =	sld [smem:$0x3FB0]  }
0x2d: {  	s3 =	simm.s32 $0x108;
	s8 =	sld [smem:$0x3FB1]  }
0x2e: {  	s3 =	simm.s32 @!p0 $0x1082;
	s9 =	sld [smem:$0x3FB2]  }
0x2f: {  	lr =	sadd.s32 s0, s3;
	s0 =	sld [smem:$0x3FA9]  }
0x30: {  	s3 =	sld [smem:$0x3FAC]  }
0x31: {  	[smem:$0x3FB5] =	sst s10  }
0x32: {  	s10 =	sld [smem:$0x3FB3];
	_ =	sdelay $0x3  }
0x33: {  	p0 =	seq.s32 s10, $0x1;
	s10 =	sld [smem:$0x3FB5];
	_ =	sdelay $0x3  }
0x34: {  	[smem:$0x3FB5] =	sst s10  }
0x35: {  	s10 =	sld [smem:$0x3FB4];
	_ =	sdelay $0x3  }
0x36: {  	p1 =	seq.s32 s10, $0x1;
	s10 =	sld [smem:$0x3FB5];
	_ =	sdelay $0x3  }
0x37: {  	[smem:$0x3FB5] =	sst s10  }
0x38: {  	s10 =	sld [smem:$0x3FB6]  }
0x39: {  	_ = 	snop;
	(pc) =	sbr.ind lr, $3  }
0x3a: {  	_ = 	snop  }
0x3b: {  	_ = 	snop  }
0x3c: {  	p2 =	seq.s32 s10, $0x1;
	s10 =	sld [smem:$0x3FB5]  }
0x3d: {  	_ =	shalt  }
0x3e: {  	_ =	shalt  }
0x3f: {  	_ =	shalt  }
0x40: {  	_ =	shalt  }
0x41: {  	_ =	shalt  }
0x42: {  	_ =	shalt  }
0x43: {  	_ =	shalt  }
0x44: {  	_ =	shalt  }
0x45: {  	_ =	shalt  }
0x46: {  	_ =	shalt  }
0x47: {  	_ =	shalt  }
0x48: {  	_ =	shalt  }
0x49: {  	_ =	shalt  }
0x4a: {  	_ =	shalt  }
0x4b: {  	_ =	shalt  }
0x4c: {  	_ =	shalt  }
0x4d: {  	_ =	shalt  }
0x4e: {  	_ =	shalt  }
0x4f: {  	_ =	shalt  }
0x50: {  	_ =	shalt  }
0x51: {  	_ =	shalt  }
0x52: {  	_ =	shalt  }
0x53: {  	_ =	shalt  }
0x54: {  	_ =	shalt  }
0x55: {  	_ =	shalt  }
0x56: {  	_ =	shalt  }
0x57: {  	_ =	shalt  }
0x58: {  	_ =	shalt  }
0x59: {  	_ =	shalt  }
0x5a: {  	_ =	shalt  }
0x5b: {  	_ =	shalt  }
0x5c: {  	_ =	shalt  }
0x5d: {  	_ =	shalt  }
0x5e: {  	_ =	shalt  }
0x5f: {  	_ =	shalt  }
0x60: {  	_ =	shalt  }
0x61: {  	_ =	shalt  }
0x62: {  	_ =	shalt  }
0x63: {  	_ =	shalt  }
0x64: {  	_ =	shalt  }
0x65: {  	_ =	shalt  }
0x66: {  	_ =	shalt  }
0x67: {  	_ =	shalt  }
0x68: {  	_ =	shalt  }
0x69: {  	_ =	shalt  }
0x6a: {  	_ =	shalt  }
0x6b: {  	_ =	shalt  }
0x6c: {  	_ =	shalt  }
0x6d: {  	_ =	shalt  }
0x6e: {  	_ =	shalt  }
0x6f: {  	_ =	shalt  }
0x70: {  	_ =	shalt  }
0x71: {  	_ =	shalt  }
0x72: {  	_ =	shalt  }
0x73: {  	_ =	shalt  }
0x74: {  	_ =	shalt  }
0x75: {  	_ =	shalt  }
0x76: {  	_ =	shalt  }
0x77: {  	_ =	shalt  }
0x78: {  	_ =	shalt  }
0x79: {  	_ =	shalt  }
0x7a: {  	_ =	shalt  }
0x7b: {  	_ =	shalt  }
0x7c: {  	_ =	shalt  }
0x7d: {  	_ =	shalt  }
0x7e: {  	_ =	shalt  }
0x7f: {  	_ =	shalt  }
0x80: {  	_ =	shalt  }
0x81: {  	_ =	shalt  }
0x82: {  	_ =	shalt  }
0x83: {  	_ =	shalt  }
0x84: {  	_ =	shalt  }
0x85: {  	_ =	shalt  }
0x86: {  	_ =	shalt  }
0x87: {  	_ =	shalt  }
.Lfunc_end0:
.L_simem_size_0:
called_computation_lowered:
.L_overlay_start_0:
0x88: {  	s0 =	sld [smem:$0x3FD9]  }
0x89: {  	s1 =	sld [smem:$0x3FFE];
	_ =	sdelay $0x3  }
0x8a: {  	s0 =	sadd.s32 s1, s0  }
0x8b: {  	[smem:$0x3FC1] =	sst s0  }
0x8c: {  	_ = 	snop  }
0x8d: {  	s0 =	sld [smem:$0x3FD0];
	_ =	sdelay $0x2  }
0x8e: {  	s13 =	simm.s32 $0xD;
	s2 =	simm.s32 $0x10  }
0x8f: {  	[smem:s2], [sflag:s13] =	dma.local [hbm:s0], $0x1  }
0x90: {  	_ =	swait.eq [sflag:s13], $0x1  }
0x91: {  	[sflag:s13] =	ssyncset.done $0x0  }
0x92: {  	[sflag:s13] =	ssyncadd.s32 $0xFFFFFFFF  }
0x93: {  	s14 =	sld [smem:$0x14];
	(tm) =	ssettm $0x1  }
0x94: {  	s15 =	sld [smem:$0x3FFB];
	_ =	sdelay $0x3  }
0x95: {  	_ =	strace s15  }
0x96: {  	s1 =	sld [smem:$0x3FFC];
	_ =	sdelay $0x3  }
0x97: {  	_ =	strace s1  }
0x98: {  	s1 =	sld [smem:$0x3FFD];
	_ =	sdelay $0x3  }
0x99: {  	_ =	strace s1  }
0x9a: {  	_ =	strace $0x8FFFFFFF  }
0x9b: {  	s16 =	sld [smem:$0x3FDB];
	_ =	sdelay $0x1  }
0x9c: {  	s17 =	simm.s32 $_scs_section_size  }
0x9d: {  	s3 =	simm.s32 $_size__tile_overlayer_lowered;
	s4 =	simm.s32 $_tile_overlayer_lowered  }
0x9e: {  	s20 =	simm.s32 $0x1BFF;
	s19 =	sshll.u32 s4, $0x1;
	s1 =	sadd.s32 s17, s16  }
0x9f: {  	s5 =	simm.s32 $0x0;
	s18 =	sshll.u32 s3, $0x1;
	s3 =	sadd.s32 s19, s1  }
0xa0: {  	[timem:s5], [sflag:s20] =	dma.local [hbm:s3], s18  }
0xa1: {  	_ =	swait.ge [sflag:s20], s18  }
0xa2: {  	s2 =	ssub.s32 $0x0, s18;
	[sflag:s20] =	ssyncset.done $0x0  }
0xa3: {  	[sflag:s20] =	ssyncadd.s32 s2;
	_ =	sdelay $0x1  }
0xa4: {  	s21 =	simm.s32 $0x1B8B  }
0xa5: {  	_ =	swait.ge [sflag:s21], $0x1  }
0xa6: {  	[sflag:s21] =	ssyncset.done $0x0  }
0xa7: {  	s23 =	simm.s32 $0x1B8E;
	s22 =	sld [smem:$0x3FFE];
	[sflag:s21] =	ssyncadd.s32 $0xFFFFFFFF  }
0xa8: {  	s24 =	simm.s32 $execute0_lowered;
	[smem:$0x3FD2] =	sst s23  }
0xa9: {  	s3 =	sshll.u32 s24, $0x1;
	_ =	strace $0x80000052;
	[dreg:$0x1] =	wrdreg $0xFFFFFFFF  }
0xaa: {  	s25 =	simm.s32 $_size_execute0_lowered;
	s1 =	sadd.s32 s1, s3;
	[dreg:$0x0] =	wrdreg $0x0  }
0xab: {  	s3 =	sshll.u32 s25, $0x1;
	[dreg:$0x2] =	wrdreg s1  }
0xac: {  	[dreg:$0x3] =	wrdreg s3  }
0xad: {  	[dreg:$0x4] =	wrdreg $0xC0  }
0xae: {  	_ =	task [dreg:s5], $0x5FFFF  }
0xaf: {  	[dreg:$0x1] =	wrdreg $0xFFFFFFFF  }
0xb0: {  	[dreg:$0x0] =	wrdreg $0x60  }
0xb1: {  	[dreg:$0x2] =	wrdreg s22  }
0xb2: {  	[dreg:$0x3] =	wrdreg s14  }
0xb3: {  	[dreg:$0x4] =	wrdreg $0xB  }
0xb4: {  	_ =	task.clear_ibuf [dreg:s5], $0x5FFFF;
	_ =	strace $0x90000052  }
0xb5: {  	s26 =	simm.s32 $0xB;
	_ =	strace $0x80000054  }
0xb6: {  	_ =	swait.ge [sflag:s26], $0x1  }
0xb7: {  	[sflag:s26] =	ssyncadd.s32 $0xFFFFFFFF  }
0xb8: {  	_ =	strace $0x90000054  }
0xb9: {  	_ =	sfence  }
0xba: {  	s28 =	sld [smem:$0x0];
	_ =	sdelay $0x1  }
0xbb: {  	s29 =	srdreg.scid  }
0xbc: {  	s30 =	sshll.u32 s29, $0xD;
	s31 =	sshrl.u32 s29, $0x2  }
0xbd: {  	s2 =	sand.u32 $0x4000, s30;
	s1 =	sand.u32 $0x1, s29;
	s0 =	sadd.s32 s31, s28  }
0xbe: {  	s1 =	sor.u32 s2, s1;
	s0 =	sshll.u32 s0, $0x11  }
0xbf: {  	s0 =	sor.u32 s0, s1  }
0xc0: {  	s0 =	sadd.s32 $0x8F2B, s0  }
0xc1: {  	[sflag:s0] =	ssyncadd.remote.s32 $0x1  }
0xc2: {  	_ =	sfence.sel $0xFFFF  }
0xc3: {  	[dreg:$0x0] =	wrdreg $0xFFFFFFFF;
	(pc) =	sbr.abs _section_cstart, $3  }
0xc4: {  	[dreg:$0x1] =	wrdreg $0xFFFFFFFF  }
0xc5: {  	_ =	task.clear_ibuf [dreg:s5], $0x2FFFF;
	_ =	strace $0x9FFFFFFF  }
0xc6: {  	(tm) =	ssettm $0x7FFFFFFF  }
0xc7: {  	_ =	shalt  }
tec
execute0_lowered:
.L_overlay_start_1:
0x0: {  	(tag) =	ssettag $0x1  }
0x1: {  	s0 =	stileid.u32  }
0x2: {  	s1 =	smin.u32 s0, $0x9  }
0x3: {  	s1 =	sadd.s32 s0, s1  }
0x4: {  	s2 =	simm.s32 $0x320;
	p0 =	slt.u32 s0, $0x9;
	s1 =	smul.u32 $0x190, s1  }
0x5: {  	s2 =	simm.s32 @!p0 $0x190  }
0x6: {  	s2 =	sadd.s32 s2, s1  }
0x7: {  	s3 =	smin.u32 s2, $0x2710  }
0x8: {  	s7 =	ssub.s32 s3, s1  }
0x9: {  	p0 =	sgt.s32 s7, $0x0  }
0xa: {  	s7 =	simm.s32 @!p0 $0x0  }
0xb: {  	s31 =	sand.u32 $0xFFF0, s7  }
0xc: {  	s2 =	sshrl.u32 s31, $0x4  }
0xd: {  	s9 =	rddreg [dreg:$0x0];
	s2 =	smul.u32 $0xA3E, s2  }
0xe: {  	s4 =	rddreg [dreg:$0x1];
	s6 =	simm.s32 $0x1  }
0xf: {  	s11 =	simm.s32 $0x3;
	s13 =	simm.s32 $0x0;
	s8 =	sshrl.u32 s2, $0x10  }
0x10: {  	s12 =	simm.s32 $0x0;
	s5 =	sadd.s32 $0x818E00, s9;
	s10 =	smul.u32 $0x190, s8  }
.Ltmp0:
0x11: {  	s9 =	sadd.s32 $0x7800, s9;
	s2 =	rddreg [dreg:$0x2];
	(pc) =	sbr.rel .LBB2_1-.Ltmp0, $4  }
0x12: {  	_ =	strace $0x80000053;
	p0 =	sne.s32 s7, s10;
	s10 =	simm.s32 $0x1  }
0x13: {  	[sflag:s6] =	ssyncpa.u1 $0x0;
	s7 =	simm.s32 $0x2;
	s10 =	simm.s32 @!p0 $0x0  }
0x14: {  	[sflag:s7] =	ssyncpa.u1 $0x0;
	p0 =	por $0x0, $0x0;
	s8 =	sadd.s32 s8, s10  }
0x15: {  	vm0 =	vmmov $0xff;
	vm1 =	vcmask $0x3F20;
	[sflag:s11] =	ssyncpa.u1 $0x0;
	s11 =	smov.u32 s1;
	s10 =	sadd.s32 $0x1, s8  }
.LBB2_6:
0x16: {  	[hbm:s17] =	stream.linear.scatter [tilespmem:s14], [sflag:$0x3], $0x400, $0x38;
	[tilespmem:$0x19320] =	vst v63  }
.LBB2_7:
0x17: {  	s13 =	sadd.s32 $0x190, s11  }
0x18: {  	s15 =	smov.u32 s1;
	p2 =	slt.s32 s13, s3  }
0x19: {  	s15 =	smov.u32 @p2 s13;
	p2 =	sne.s32 s12, s10  }
.Ltmp1:
0x1a: {  	p1 =	slt.u32 s12, $0x2;
	(pc) =	sbr.rel @!p2 .LBB2_8-.Ltmp1, $4  }
0x1b: {  	s14 =	simm.s32 @!p1 $0x3  }
0x1c: {  	s16 =	sadd.s32 $0x1, s12;
	_ =	swait.ge @!p1 [sflag:s14], $0xC800  }
0x1d: {  	p0 =	por !p0, !p0;
	s13 =	smov.u32 s11;
	[sflag:s14] =	ssyncset.done @!p1 $0x0  }
0x1e: {  	s12 =	smov.u32 s16;
	s11 =	smov.u32 s15;
	[sflag:s14] =	ssyncadd.s32 @!p1 $0xFFFF3800  }
.LBB2_1:
0x1f: {  	p1 =	sge.u32 s12, s8  }
0x20: {  	s14 =	sxor.u32 @!p1 $0xFFFFFFFF, s12  }
0x21: {  	s14 =	sand.u32 @!p1 $0x1, s14  }
0x22: {  	s14 =	smul.u32 @!p1 $0x640, s14  }
0x23: {  	s31 =	sadd.s32 $0xFFFFFFFF, s12;
	s15 =	sshrl.u32 @!p1 s11, $0x3  }
0x24: {  	s16 =	sand.u32 @!p1 $0x7, s11;
	s15 =	sadd.s32 @!p1 s4, s15;
	s14 =	sshrl.u32 @!p1 s14, $0x2  }
0x25: {  	[tilespmem:s14], [sflag:$0x2] =	stream.linear.gather @!p1 [hbm4b:s15+s16], $0x190, $0x38;
	[tilespmem:$0x19320] =	vst v63  }
0x26: {  	p1 =	sge.u32 s31, s8  }
.Ltmp2:
0x27: {  	_ = 	snop;
	(pc) =	sbr.rel @p1 .LBB2_7-.Ltmp2, $1  }
0x28: {  	_ =	sdelay $0x3  }
0x29: {  	s14 =	simm.s32 $0x1  }
0x2a: {  	s14 =	simm.s32 @!p0 $0x0  }
0x2b: {  	s15 =	smul.u32 $0x640, s14  }
0x2c: {  	_ =	swait.ge [sflag:s7], $0x190  }
0x2d: {  	[sflag:s7] =	ssyncset.done $0x0;
	s16 =	sshrl.u32 s15, $0x2  }
0x2e: {  	[sflag:s7] =	ssyncadd.s32 $0xFFFFFE70;
	s15 =	sadd.s32 $0x0, s16  }
0x2f: {  	v0 =	vld.msk [tilespmem:s15+$0x0 ss:$0x1], $0xffff;
	_ =	sdelay $0x4  }
0x30: {  	vm2 =	vgt.s32 v0, $0x0  }
0x31: {  	v0 =	vnsel vm2, $0x0, v0  }
0x32: {  	v0 =	vmin.u32 v0, $0x30D3F  }
0x33: {  	v0 =	vshll.u32 v0, $0x4  }
0x34: {  	s14 =	smul.u32 $0x32000, s14;
	_ =	sdelay $0x1  }
0x35: {  	s14 =	sshrl.u32 s14, $0x2  }
0x36: {  	s14 =	sor.u32 $0x320, s14  }
0x37: {  	[tilespmem:s14], [sflag:$0x1] =	stream.indirect_vreg.gather [hbm:s5], $0x80, v0, vm0, $0x38;
	[tilespmem:$0x19320] =	vst v63  }
0x38: {  	s17 =	sadd.s32 $0x10, s16;
	s15 =	sadd.s32 $0x400, s14  }
0x39: {  	[tilespmem:s15], [sflag:$0x1] =	stream.indirect_vreg.gather [hbm:s5], $0x80, v0, vm1, $0x38;
	[tilespmem:$0x19320] =	vst v63  }
0x3a: {  	s18 =	simm.s32 $0x80;
	v0 =	vld.msk [tilespmem:s17+$0x0 ss:$0x1], $0xffff;
	s17 =	smov.u32 s14  }
.LBB2_3:
0x3b: {  	p1 =	sne.s32 s18, $0x600;
	_ =	sdelay $0x4  }
0x3c: {  	vm2 =	vgt.s32 v0, $0x0  }
0x3d: {  	v0 =	vnsel vm2, $0x0, v0  }
0x3e: {  	v0 =	vmin.u32 v0, $0x30D3F  }
0x3f: {  	v0 =	vshll.u32 v0, $0x4;
	_ =	sdelay $0x3  }
.Ltmp3:
0x40: {  	s19 =	sshra.s32 s18, $0x2;
	s17 =	sadd.s32 $0x800, s17;
	(pc) =	sbr.rel @p1 .LBB2_3-.Ltmp3, $4  }
0x41: {  	[tilespmem:s17], [sflag:$0x1] =	stream.indirect_vreg.gather [hbm:s5], $0x80, v0, vm0, $0x38;
	[tilespmem:$0x19320] =	vst v63  }
0x42: {  	s19 =	sadd.s32 s19, s16;
	s20 =	sadd.s32 $0x400, s17  }
0x43: {  	[tilespmem:s20], [sflag:$0x1] =	stream.indirect_vreg.gather [hbm:s5], $0x80, v0, vm1, $0x38;
	[tilespmem:$0x19320] =	vst v63  }
0x44: {  	s18 =	sadd.s32 $0x40, s18;
	v0 =	vld.msk [tilespmem:s19+$0x0 ss:$0x1], $0xffff  }
0x45: {  	_ =	sdelay $0x3  }
0x46: {  	vm2 =	vgt.s32 v0, $0x0  }
0x47: {  	v0 =	vnsel vm2, $0x0, v0  }
0x48: {  	v0 =	vmin.u32 v0, $0x30D3F  }
0x49: {  	v0 =	vshll.u32 v0, $0x4;
	_ =	sdelay $0x3  }
0x4a: {  	s16 =	sadd.s32 $0x800, s17  }
0x4b: {  	[tilespmem:s16], [sflag:$0x1] =	stream.indirect_vreg.gather [hbm:s5], $0x80, v0, vm0, $0x38;
	[tilespmem:$0x19320] =	vst v63  }
0x4c: {  	s16 =	sadd.s32 $0x400, s16  }
0x4d: {  	[tilespmem:s16], [sflag:$0x1] =	stream.indirect_vreg.gather [hbm:s5], $0x80, v0, vm1, $0x38;
	[tilespmem:$0x19320] =	vst v63  }
0x4e: {  	s13 =	sshll.u32 s13, $0x4;
	_ =	swait.ge [sflag:s6], $0xC800  }
0x4f: {  	s13 =	sadd.s32 s13, s9;
	[sflag:s6] =	ssyncset.done $0x0  }
0x50: {  	s17 =	sadd.s32 $0x0, s13;
	s16 =	simm.s32 $0x80;
	[sflag:s6] =	ssyncadd.s32 $0xFFFF3800  }
.LBB2_5:
0x51: {  	[hbm:s17] =	stream.linear.scatter [tilespmem:s14], [sflag:$0x3], $0x400, $0x38;
	[tilespmem:$0x19320] =	vst v63  }
0x52: {  	s17 =	smov.u32 s16;
	s14 =	smov.u32 s15;
	p1 =	sne.s32 s16, $0x1880  }
.Ltmp4:
0x53: {  	s16 =	sadd.s32 $0x80, s16;
	(pc) =	sbr.rel @p1 .LBB2_5-.Ltmp4, $2  }
0x54: {  	_ =	sdelay $0x2  }
0x55: {  	s15 =	sadd.s32 $0x400, s15;
	s17 =	sadd.s32 s17, s13  }
.Ltmp5:
0x56: {  	_ = 	snop;
	(pc) =	sbr.rel .LBB2_6-.Ltmp5, $1  }
0x57: {  	_ =	sdelay $0x3  }
.LBB2_8:
0x58: {  	_ =	sfence.sel $0x180000  }
0x59: {  	s1 =	simm.s32 $0x2;
	[bflag:$0x0] =	sbarrier.arrive $0xFFFF  }
0x5a: {  	s30 =	simm.s32 $0x3;
	[sflag:s1] =	ssyncpa.u1 $0x1  }
0x5b: {  	s31 =	simm.s32 $0x1;
	[sflag:s30] =	ssyncpa.u1 $0x1  }
0x5c: {  	[sflag:s31] =	ssyncpa.u1 $0x1  }
0x5d: {  	p0 =	sne.s32 s0, $0x0;
	_ =	strace $0x90000053  }
0x5e: {  	s0 =	sadd.s32 @!p0 $0x100000, s2;
	[bflag:$0x2] =	sbarrier.arrive $0xFFFF  }
0x5f: {  	[sflag:s0] =	ssyncadd.tile.s32 @!p0 $0x1;
	_ =	shalt  }
.Lfunc_end2:
_tile_overlayer_lowered:
.L_overlay_start_2:
0x60: {  	(tag) =	ssettag $0x2  }
0x61: {  	s0 =	rddreg [dreg:$0x0];
	s2 =	stileid.u32  }
0x62: {  	s1 =	rddreg [dreg:$0x1];
	p0 =	sne.s32 s2, $0x0  }
0x63: {  	s3 =	rddreg [dreg:$0x2];
	[bflag:$0x3] =	sbarrier.arrive $0xFFFF;
	s2 =	simm.s32 @!p0 $0x1C01  }
0x64: {  	[timem:s3], [sflag:s2] =	dma.local @!p0 [hbm:s0], s1  }
0x65: {  	s0 =	simm.s32 @!p0 $0x1  }
0x66: {  	_ =	swait.ge @!p0 [sflag:s0], s1  }
0x67: {  	s1 =	ssub.s32 @!p0 $0x0, s1;
	[sflag:s0] =	ssyncset.done @!p0 $0x0  }
0x68: {  	[sflag:s0] =	ssyncadd.s32 @!p0 s1  }
0x69: {  	[bflag:$0x3] =	sbarrier.arrive $0xFFFF  }
0x6a: {  	_ =	shalt  }

</sc_bundles>
